<compile_context>
chip_gen: v7x
topology: tpu7x:2x2x1
jax: 0.10.2.dev20260603
libtpu: 0.0.44.dev20260713+nightly
codegen_flags: <defaults>
</compile_context>

<pallas_src>
import functools
import jax
import jax.numpy as jnp
from jax import lax
from jax.experimental import pallas as pl
from jax.experimental.pallas import tpu as pltpu
from jax.experimental.pallas import tpu_sc as plsc

B, N, D = 16, 256, 128
HID, LAT = 256, 128


def _encoder_kernel(nf_ref, adj_ref, w0_ref, w1_ref, w2_ref,
                    gamma_ref, beta_ref, x_ref):
    eye = (jax.lax.broadcasted_iota(jnp.int32, (N, N), 0)
           == jax.lax.broadcasted_iota(jnp.int32, (N, N), 1)
           ).astype(jnp.float32)
    adjp = adj_ref[...] + eye[None, :, :]
    deg = jnp.sum(adjp, axis=1)
    dis = jax.lax.rsqrt(deg)
    m = adjp * (dis[:, :, None] * dis[:, None, :])

    x = nf_ref[...]
    ws = (w0_ref, w1_ref, w2_ref)
    for i in range(3):
        t = jax.lax.dot_general(
            m, x, (((1,), (1,)), ((0,), (0,))),
            preferred_element_type=jnp.float32)
        agg = jnp.dot(t.reshape(B * N, t.shape[-1]), ws[i][...],
                      preferred_element_type=jnp.float32)
        s1 = jnp.sum(agg, axis=0)
        s2 = jnp.sum(agg * agg, axis=0)
        mu = s1 * (1.0 / (B * N))
        var = s2 * (1.0 / (B * N)) - mu * mu
        scale = gamma_ref[i, :] * jax.lax.rsqrt(var + 1e-5)
        shift = beta_ref[i, :] - mu * scale
        h = jnp.maximum(agg * scale[None, :] + shift[None, :], 0.0)
        if i > 0:
            h = h + x.reshape(B * N, HID)
        x = h.reshape(B, N, HID)
    x_ref[...] = x


@functools.partial(
    pl.kernel,
    out_type=jax.ShapeDtypeStruct((B, HID), jnp.float32),
    mesh=plsc.VectorSubcoreMesh(core_axis_name="c", subcore_axis_name="s"),
    scratch_types=[
        pltpu.VMEM((N, HID), jnp.float32),
        pltpu.VMEM((HID,), jnp.float32),
    ],
)
def _sc_pool(x_hbm, out_hbm, xv, ov):
    wid = lax.axis_index("s") * 2 + lax.axis_index("c")

    @pl.when(wid < B)
    def _():
        pltpu.sync_copy(x_hbm.at[wid], xv)
        for fc in range(HID // 16):
            sl = pl.ds(fc * 16, 16)

            def body(r, acc):
                return acc + xv[r, sl]

            acc = jax.lax.fori_loop(0, N, body,
                                    jnp.zeros((16,), jnp.float32))
            ov[sl] = acc * (1.0 / N)
        pltpu.sync_copy(ov, out_hbm.at[wid])


def kernel(node_features, adjacency, mask, W0, b0, W1, b1, W2, b2,
           bn_gamma, bn_beta, out_W, out_b):
    del mask, b0, b1, b2
    x3 = pl.pallas_call(
        _encoder_kernel,
        out_shape=jax.ShapeDtypeStruct((B, N, HID), jnp.float32),
    )(node_features, adjacency, W0, W1, W2, bn_gamma, bn_beta)
    pooled = _sc_pool(x3)
    return jnp.tanh(pooled @ out_W + out_b)

# --- scband reference (transcript-rebuilt; emitter-appended) ---
"""Pipeline reference for scband-shared-graph-encoder-17712445129059 (READ-ONLY COPY).

The authoritative reference and input builder live on the scoring server;
editing this copy changes nothing except your own understanding.
"""

import jax, jax.numpy as jnp
import numpy as np

B, N, D = 16, 256, 128
HID, LAT, NLAYERS = 256, 128, 3


def setup_inputs(seed: int = 0):
    key = jax.random.key(seed)
    ks = jax.random.split(key, 16)
    node_features = jax.random.normal(ks[0], (B, N, D), dtype=jnp.float32)
    # binary adjacency, ~avg_degree 16, no self-loops (GCNConv adds them itself)
    adj = (jax.random.uniform(ks[1], (B, N, N)) < 0.0625).astype(jnp.float32)
    adj = adj * (1.0 - jnp.eye(N, dtype=jnp.float32))[None, :, :]
    mask = jnp.ones((B, N), dtype=bool)

    def lin(k, fan_in, shape):
        return jax.random.normal(k, shape, dtype=jnp.float32) * (1.0 / np.sqrt(fan_in))

    W0 = lin(ks[2], D, (D, HID)); b0 = jnp.zeros((HID,), jnp.float32)
    W1 = lin(ks[3], HID, (HID, HID)); b1 = jnp.zeros((HID,), jnp.float32)
    W2 = lin(ks[4], HID, (HID, HID)); b2 = jnp.zeros((HID,), jnp.float32)
    bn_gamma = jnp.ones((NLAYERS, HID), jnp.float32)
    bn_beta = jnp.zeros((NLAYERS, HID), jnp.float32)
    out_W = lin(ks[5], HID, (HID, LAT)); out_b = jnp.zeros((LAT,), jnp.float32)
    return {"node_features": node_features, "adjacency": adj, "mask": mask,
            "W0": W0, "b0": b0, "W1": W1, "b1": b1, "W2": W2, "b2": b2,
            "bn_gamma": bn_gamma, "bn_beta": bn_beta, "out_W": out_W, "out_b": out_b}


def _dense_to_sparse(adjacency):
    # fixed-shape edge enumeration: all (r, c) pairs in row-major order (the
    # order jnp.nonzero yields), with the binary adjacency entries as weights
    Bv, Nn = adjacency.shape[0], adjacency.shape[1]
    src = jnp.repeat(jnp.arange(Nn), Nn)
    dst = jnp.tile(jnp.arange(Nn), Nn)
    w = adjacency.reshape(Bv, Nn * Nn)
    return src, dst, w


def _gcn_conv(x, src, dst, w, W, b, n_tot):
    # PyG GCNConv: x' = D^{-1/2}(A+I)D^{-1/2} (x W) + b
    xw = x @ W
    Bv = w.shape[0]
    Nn = n_tot // Bv
    loops = jnp.arange(Nn)
    s = jnp.concatenate([src, loops])
    t = jnp.concatenate([dst, loops])
    ones = jnp.ones((Nn,), x.dtype)
    xw_g = xw.reshape(Bv, Nn, xw.shape[1])
    outs = []
    for i in range(Bv):
        wf = jnp.concatenate([w[i], ones])
        deg = jnp.zeros((Nn,), x.dtype).at[t].add(wf)
        dis = jnp.where(deg > 0, jax.lax.rsqrt(jnp.maximum(deg, 1e-12)), 0.0)
        norm = dis[s] * dis[t] * wf
        msgs = xw_g[i][s] * norm[:, None]
        outs.append(jnp.zeros((Nn, xw.shape[1]), x.dtype).at[t].add(msgs))
    out = jnp.concatenate(outs, axis=0)
    return out + b


def _batchnorm(x, gamma, beta, eps=1e-5):
    mu = jnp.mean(x, axis=0)
    var = jnp.var(x, axis=0)
    return gamma * (x - mu) * jax.lax.rsqrt(var + eps) + beta


def reference(node_features, adjacency, mask, W0, b0, W1, b1, W2, b2,
              bn_gamma, bn_beta, out_W, out_b):
    Bb, Nn, Dd = node_features.shape
    n_tot = Bb * Nn
    x = node_features.reshape(n_tot, Dd)
    batch_idx = jnp.repeat(jnp.arange(Bb), Nn)
    src, dst, wts = _dense_to_sparse(adjacency)
    layers = [(W0, b0), (W1, b1), (W2, b2)]
    for i, (W, b) in enumerate(layers):
        x_new = _gcn_conv(x, src, dst, wts, W, b, n_tot)
        x_new = _batchnorm(x_new, bn_gamma[i], bn_beta[i])
        x_new = jax.nn.relu(x_new)
        if i > 0:
            x_new = x_new + x
        x = x_new  # dropout: eval mode -> identity
    counts = jnp.zeros((Bb,), x.dtype).at[batch_idx].add(1.0)
    pooled = jax.ops.segment_sum(x, batch_idx, num_segments=Bb) / counts[:, None]
    z = jnp.tanh(pooled @ out_W + out_b)
    return z

if __name__ == "__main__":
    import jax
    _d = setup_inputs()
    print(jax.jit(kernel)(*tuple(_d.values())))

</pallas_src>

<mosaic_0001>
#map = affine_map<(d0, d1) -> (0, 0, 0)>
#map1 = affine_map<(d0, d1) -> (0, 0)>
module attributes {stable_mosaic.version = 14 : i64} {
  func.func @_sc_pool(%arg0: i32, %arg1: i32, %arg2: memref<16x256x256xf32, #tpu.memory_space<hbm>>, %arg3: memref<16x256xf32, #tpu.memory_space<hbm>>, %arg4: memref<256x256xf32, #tpu.memory_space<vmem>>, %arg5: memref<256xf32, #tpu.memory_space<vmem>>) attributes {dimension_semantics = [#tpu.dimension_semantics<core_parallel>, #tpu.dimension_semantics<subcore_parallel>], iteration_bounds = array<i64: 2, 16>, scalar_prefetch = 0 : i64, scratch_operands = 2 : i64, tpu.core_type = #tpu.core_type<sc_vector_subcore>, window_params = [{transform_indices = #map}, {transform_indices = #map1}]} {
    %mul3A = arith.constant 2 : i32
    %mul3A_0 = arith.muli %arg1, %mul3A : i32
    %add3A = arith.addi %mul3A_0, %arg0 : i32
    %lt3A = arith.constant 16 : i32
    %lt3A_1 = arith.cmpi slt, %add3A, %lt3A : i32
    %convert_element_type3A = arith.extui %lt3A_1 : i1 to i32
    %cond3A = arith.constant 0 : i32
    %cond3A_2 = arith.cmpi ne, %convert_element_type3A, %cond3A : i32
    scf.if %cond3A_2 {
      "tpu.region"() ({
        %run_scoped3A = tpu.sem_alloc : memref<!tpu.dma_semaphore, #tpu.memory_space<semaphore_mem>>
        %dma_start3A = arith.constant 0 : i32
        %dma_start3A_240 = arith.constant 0 : i32
        %dma_start3A_241 = tpu.memref_slice %arg2[%add3A, %dma_start3A, %dma_start3A_240] : memref<16x256x256xf32, #tpu.memory_space<hbm>> -> memref<1x256x256xf32, #tpu.memory_space<hbm>>
        %dma_start3A_242 = tpu.memref_squeeze %dma_start3A_241 : memref<1x256x256xf32, #tpu.memory_space<hbm>> -> memref<256x256xf32, #tpu.memory_space<hbm>>
        %dma_start3A_243 = arith.constant 0 : i32
        %dma_start3A_244 = arith.constant 0 : i32
        %dma_start3A_245 = tpu.memref_slice %arg2[%add3A, %dma_start3A_243, %dma_start3A_244] : memref<16x256x256xf32, #tpu.memory_space<hbm>> -> memref<1x256x256xf32, #tpu.memory_space<hbm>>
        %dma_start3A_246 = tpu.memref_squeeze %dma_start3A_245 : memref<1x256x256xf32, #tpu.memory_space<hbm>> -> memref<256x256xf32, #tpu.memory_space<hbm>>
        tpu.enqueue_dma source(%dma_start3A_246 : memref<256x256xf32, #tpu.memory_space<hbm>>) target(%arg4 : memref<256x256xf32, #tpu.memory_space<vmem>>) target_semaphore(%run_scoped3A : memref<!tpu.dma_semaphore, #tpu.memory_space<semaphore_mem>>)
        %dma_wait3A = arith.constant 0 : i32
        %dma_wait3A_247 = arith.constant 0 : i32
        %dma_wait3A_248 = tpu.memref_slice %arg2[%add3A, %dma_wait3A, %dma_wait3A_247] : memref<16x256x256xf32, #tpu.memory_space<hbm>> -> memref<1x256x256xf32, #tpu.memory_space<hbm>>
        %dma_wait3A_249 = tpu.memref_squeeze %dma_wait3A_248 : memref<1x256x256xf32, #tpu.memory_space<hbm>> -> memref<256x256xf32, #tpu.memory_space<hbm>>
        %dma_wait3A_250 = arith.constant 0 : i32
        %dma_wait3A_251 = arith.constant 0 : i32
        %dma_wait3A_252 = tpu.memref_slice %arg2[%add3A, %dma_wait3A_250, %dma_wait3A_251] : memref<16x256x256xf32, #tpu.memory_space<hbm>> -> memref<1x256x256xf32, #tpu.memory_space<hbm>>
        %dma_wait3A_253 = tpu.memref_squeeze %dma_wait3A_252 : memref<1x256x256xf32, #tpu.memory_space<hbm>> -> memref<256x256xf32, #tpu.memory_space<hbm>>
        tpu.wait_dma2 semaphore(%run_scoped3A : memref<!tpu.dma_semaphore, #tpu.memory_space<semaphore_mem>>) src(%dma_wait3A_253 : memref<256x256xf32, #tpu.memory_space<hbm>>) dst(%arg4 : memref<256x256xf32, #tpu.memory_space<vmem>>)
        tpu.yield
      }) : () -> ()
      %broadcast_in_dim3A = arith.constant 0.000000e+00 : f32
      %broadcast_in_dim3A_3 = vector.broadcast %broadcast_in_dim3A : f32 to vector<16xf32>
      %scan3A = arith.constant 0 : i32
      %scan3A_4 = arith.constant 256 : i32
      %scan3A_5 = arith.addi %scan3A, %scan3A_4 : i32
      %scan3A_6 = arith.constant 1 : i32
      %scan3A_7 = scf.for %scan3A_240 = %scan3A to %scan3A_5 step %scan3A_6 iter_args(%scan3A_241 = %broadcast_in_dim3A_3) -> (vector<16xf32>)  : i32 {
        %get3A = arith.index_cast %scan3A_240 : i32 to index
        %get3A_242 = arith.constant 0 : index
        %get3A_243 = tpu.vector_load %arg4[%get3A, %get3A_242] {strides = array<i32>} : memref<256x256xf32, #tpu.memory_space<vmem>>, vector<1x16xf32>,
        %get3A_244 = vector.shape_cast %get3A_243 : vector<1x16xf32> to vector<16xf32>
        %add3A_245 = arith.addf %scan3A_241, %get3A_244 : vector<16xf32>
        scf.yield %add3A_245 : vector<16xf32>
      }
      %scan3A_8 = arith.constant 256 : i32
      %mul3A_9 = arith.constant 3.906250e-03 : f32
      %mul3A_10 = vector.broadcast %mul3A_9 : f32 to vector<16xf32>
      %mul3A_11 = arith.mulf %scan3A_7, %mul3A_10 : vector<16xf32>
      %swap3A = arith.constant 0 : index
      %swap3A_12 = tpu.vector_load %arg5[%swap3A] {strides = array<i32>} : memref<256xf32, #tpu.memory_space<vmem>>, vector<16xf32>,
      %swap3A_13 = vector.shape_cast %swap3A_12 : vector<16xf32> to vector<16xf32>
      %swap3A_14 = vector.shape_cast %mul3A_11 : vector<16xf32> to vector<16xf32>
      tpu.vector_store %arg5[%swap3A], %swap3A_14 {strides = array<i32>} : memref<256xf32, #tpu.memory_space<vmem>>, vector<16xf32>,
      %broadcast_in_dim3A_15 = arith.constant 0.000000e+00 : f32
      %broadcast_in_dim3A_16 = vector.broadcast %broadcast_in_dim3A_15 : f32 to vector<16xf32>
      %scan3A_17 = arith.constant 0 : i32
      %scan3A_18 = arith.constant 256 : i32
      %scan3A_19 = arith.addi %scan3A_17, %scan3A_18 : i32
      %scan3A_20 = arith.constant 1 : i32
      %scan3A_21 = scf.for %scan3A_240 = %scan3A_17 to %scan3A_19 step %scan3A_20 iter_args(%scan3A_241 = %broadcast_in_dim3A_16) -> (vector<16xf32>)  : i32 {
        %get3A = arith.index_cast %scan3A_240 : i32 to index
        %get3A_242 = arith.constant 16 : index
        %get3A_243 = tpu.vector_load %arg4[%get3A, %get3A_242] {strides = array<i32>} : memref<256x256xf32, #tpu.memory_space<vmem>>, vector<1x16xf32>,
        %get3A_244 = vector.shape_cast %get3A_243 : vector<1x16xf32> to vector<16xf32>
        %add3A_245 = arith.addf %scan3A_241, %get3A_244 : vector<16xf32>
        scf.yield %add3A_245 : vector<16xf32>
      }
      %scan3A_22 = arith.constant 256 : i32
      %mul3A_23 = arith.constant 3.906250e-03 : f32
      %mul3A_24 = vector.broadcast %mul3A_23 : f32 to vector<16xf32>
      %mul3A_25 = arith.mulf %scan3A_21, %mul3A_24 : vector<16xf32>
      %swap3A_26 = arith.constant 16 : index
      %swap3A_27 = tpu.vector_load %arg5[%swap3A_26] {strides = array<i32>} : memref<256xf32, #tpu.memory_space<vmem>>, vector<16xf32>,
      %swap3A_28 = vector.shape_cast %swap3A_27 : vector<16xf32> to vector<16xf32>
      %swap3A_29 = vector.shape_cast %mul3A_25 : vector<16xf32> to vector<16xf32>
      tpu.vector_store %arg5[%swap3A_26], %swap3A_29 {strides = array<i32>} : memref<256xf32, #tpu.memory_space<vmem>>, vector<16xf32>,
      %broadcast_in_dim3A_30 = arith.constant 0.000000e+00 : f32
      %broadcast_in_dim3A_31 = vector.broadcast %broadcast_in_dim3A_30 : f32 to vector<16xf32>
      %scan3A_32 = arith.constant 0 : i32
      %scan3A_33 = arith.constant 256 : i32
      %scan3A_34 = arith.addi %scan3A_32, %scan3A_33 : i32
      %scan3A_35 = arith.constant 1 : i32
      %scan3A_36 = scf.for %scan3A_240 = %scan3A_32 to %scan3A_34 step %scan3A_35 iter_args(%scan3A_241 = %broadcast_in_dim3A_31) -> (vector<16xf32>)  : i32 {
        %get3A = arith.index_cast %scan3A_240 : i32 to index
        %get3A_242 = arith.constant 32 : index
        %get3A_243 = tpu.vector_load %arg4[%get3A, %get3A_242] {strides = array<i32>} : memref<256x256xf32, #tpu.memory_space<vmem>>, vector<1x16xf32>,
        %get3A_244 = vector.shape_cast %get3A_243 : vector<1x16xf32> to vector<16xf32>
        %add3A_245 = arith.addf %scan3A_241, %get3A_244 : vector<16xf32>
        scf.yield %add3A_245 : vector<16xf32>
      }
      %scan3A_37 = arith.constant 256 : i32
      %mul3A_38 = arith.constant 3.906250e-03 : f32
      %mul3A_39 = vector.broadcast %mul3A_38 : f32 to vector<16xf32>
      %mul3A_40 = arith.mulf %scan3A_36, %mul3A_39 : vector<16xf32>
      %swap3A_41 = arith.constant 32 : index
      %swap3A_42 = tpu.vector_load %arg5[%swap3A_41] {strides = array<i32>} : memref<256xf32, #tpu.memory_space<vmem>>, vector<16xf32>,
      %swap3A_43 = vector.shape_cast %swap3A_42 : vector<16xf32> to vector<16xf32>
      %swap3A_44 = vector.shape_cast %mul3A_40 : vector<16xf32> to vector<16xf32>
      tpu.vector_store %arg5[%swap3A_41], %swap3A_44 {strides = array<i32>} : memref<256xf32, #tpu.memory_space<vmem>>, vector<16xf32>,
      %broadcast_in_dim3A_45 = arith.constant 0.000000e+00 : f32
      %broadcast_in_dim3A_46 = vector.broadcast %broadcast_in_dim3A_45 : f32 to vector<16xf32>
      %scan3A_47 = arith.constant 0 : i32
      %scan3A_48 = arith.constant 256 : i32
      %scan3A_49 = arith.addi %scan3A_47, %scan3A_48 : i32
      %scan3A_50 = arith.constant 1 : i32
      %scan3A_51 = scf.for %scan3A_240 = %scan3A_47 to %scan3A_49 step %scan3A_50 iter_args(%scan3A_241 = %broadcast_in_dim3A_46) -> (vector<16xf32>)  : i32 {
        %get3A = arith.index_cast %scan3A_240 : i32 to index
        %get3A_242 = arith.constant 48 : index
        %get3A_243 = tpu.vector_load %arg4[%get3A, %get3A_242] {strides = array<i32>} : memref<256x256xf32, #tpu.memory_space<vmem>>, vector<1x16xf32>,
        %get3A_244 = vector.shape_cast %get3A_243 : vector<1x16xf32> to vector<16xf32>
        %add3A_245 = arith.addf %scan3A_241, %get3A_244 : vector<16xf32>
        scf.yield %add3A_245 : vector<16xf32>
      }
      %scan3A_52 = arith.constant 256 : i32
      %mul3A_53 = arith.constant 3.906250e-03 : f32
      %mul3A_54 = vector.broadcast %mul3A_53 : f32 to vector<16xf32>
      %mul3A_55 = arith.mulf %scan3A_51, %mul3A_54 : vector<16xf32>
      %swap3A_56 = arith.constant 48 : index
      %swap3A_57 = tpu.vector_load %arg5[%swap3A_56] {strides = array<i32>} : memref<256xf32, #tpu.memory_space<vmem>>, vector<16xf32>,
      %swap3A_58 = vector.shape_cast %swap3A_57 : vector<16xf32> to vector<16xf32>
      %swap3A_59 = vector.shape_cast %mul3A_55 : vector<16xf32> to vector<16xf32>
      tpu.vector_store %arg5[%swap3A_56], %swap3A_59 {strides = array<i32>} : memref<256xf32, #tpu.memory_space<vmem>>, vector<16xf32>,
      %broadcast_in_dim3A_60 = arith.constant 0.000000e+00 : f32
      %broadcast_in_dim3A_61 = vector.broadcast %broadcast_in_dim3A_60 : f32 to vector<16xf32>
      %scan3A_62 = arith.constant 0 : i32
      %scan3A_63 = arith.constant 256 : i32
      %scan3A_64 = arith.addi %scan3A_62, %scan3A_63 : i32
      %scan3A_65 = arith.constant 1 : i32
      %scan3A_66 = scf.for %scan3A_240 = %scan3A_62 to %scan3A_64 step %scan3A_65 iter_args(%scan3A_241 = %broadcast_in_dim3A_61) -> (vector<16xf32>)  : i32 {
        %get3A = arith.index_cast %scan3A_240 : i32 to index
        %get3A_242 = arith.constant 64 : index
        %get3A_243 = tpu.vector_load %arg4[%get3A, %get3A_242] {strides = array<i32>} : memref<256x256xf32, #tpu.memory_space<vmem>>, vector<1x16xf32>,
        %get3A_244 = vector.shape_cast %get3A_243 : vector<1x16xf32> to vector<16xf32>
        %add3A_245 = arith.addf %scan3A_241, %get3A_244 : vector<16xf32>
        scf.yield %add3A_245 : vector<16xf32>
      }
      %scan3A_67 = arith.constant 256 : i32
      %mul3A_68 = arith.constant 3.906250e-03 : f32
      %mul3A_69 = vector.broadcast %mul3A_68 : f32 to vector<16xf32>
      %mul3A_70 = arith.mulf %scan3A_66, %mul3A_69 : vector<16xf32>
      %swap3A_71 = arith.constant 64 : index
      %swap3A_72 = tpu.vector_load %arg5[%swap3A_71] {strides = array<i32>} : memref<256xf32, #tpu.memory_space<vmem>>, vector<16xf32>,
      %swap3A_73 = vector.shape_cast %swap3A_72 : vector<16xf32> to vector<16xf32>
      %swap3A_74 = vector.shape_cast %mul3A_70 : vector<16xf32> to vector<16xf32>
      tpu.vector_store %arg5[%swap3A_71], %swap3A_74 {strides = array<i32>} : memref<256xf32, #tpu.memory_space<vmem>>, vector<16xf32>,
      %broadcast_in_dim3A_75 = arith.constant 0.000000e+00 : f32
      %broadcast_in_dim3A_76 = vector.broadcast %broadcast_in_dim3A_75 : f32 to vector<16xf32>
      %scan3A_77 = arith.constant 0 : i32
      %scan3A_78 = arith.constant 256 : i32
      %scan3A_79 = arith.addi %scan3A_77, %scan3A_78 : i32
      %scan3A_80 = arith.constant 1 : i32
      %scan3A_81 = scf.for %scan3A_240 = %scan3A_77 to %scan3A_79 step %scan3A_80 iter_args(%scan3A_241 = %broadcast_in_dim3A_76) -> (vector<16xf32>)  : i32 {
        %get3A = arith.index_cast %scan3A_240 : i32 to index
        %get3A_242 = arith.constant 80 : index
        %get3A_243 = tpu.vector_load %arg4[%get3A, %get3A_242] {strides = array<i32>} : memref<256x256xf32, #tpu.memory_space<vmem>>, vector<1x16xf32>,
        %get3A_244 = vector.shape_cast %get3A_243 : vector<1x16xf32> to vector<16xf32>
        %add3A_245 = arith.addf %scan3A_241, %get3A_244 : vector<16xf32>
        scf.yield %add3A_245 : vector<16xf32>
      }
      %scan3A_82 = arith.constant 256 : i32
      %mul3A_83 = arith.constant 3.906250e-03 : f32
      %mul3A_84 = vector.broadcast %mul3A_83 : f32 to vector<16xf32>
      %mul3A_85 = arith.mulf %scan3A_81, %mul3A_84 : vector<16xf32>
      %swap3A_86 = arith.constant 80 : index
      %swap3A_87 = tpu.vector_load %arg5[%swap3A_86] {strides = array<i32>} : memref<256xf32, #tpu.memory_space<vmem>>, vector<16xf32>,
      %swap3A_88 = vector.shape_cast %swap3A_87 : vector<16xf32> to vector<16xf32>
      %swap3A_89 = vector.shape_cast %mul3A_85 : vector<16xf32> to vector<16xf32>
      tpu.vector_store %arg5[%swap3A_86], %swap3A_89 {strides = array<i32>} : memref<256xf32, #tpu.memory_space<vmem>>, vector<16xf32>,
      %broadcast_in_dim3A_90 = arith.constant 0.000000e+00 : f32
      %broadcast_in_dim3A_91 = vector.broadcast %broadcast_in_dim3A_90 : f32 to vector<16xf32>
      %scan3A_92 = arith.constant 0 : i32
      %scan3A_93 = arith.constant 256 : i32
      %scan3A_94 = arith.addi %scan3A_92, %scan3A_93 : i32
      %scan3A_95 = arith.constant 1 : i32
      %scan3A_96 = scf.for %scan3A_240 = %scan3A_92 to %scan3A_94 step %scan3A_95 iter_args(%scan3A_241 = %broadcast_in_dim3A_91) -> (vector<16xf32>)  : i32 {
        %get3A = arith.index_cast %scan3A_240 : i32 to index
        %get3A_242 = arith.constant 96 : index
        %get3A_243 = tpu.vector_load %arg4[%get3A, %get3A_242] {strides = array<i32>} : memref<256x256xf32, #tpu.memory_space<vmem>>, vector<1x16xf32>,
        %get3A_244 = vector.shape_cast %get3A_243 : vector<1x16xf32> to vector<16xf32>
        %add3A_245 = arith.addf %scan3A_241, %get3A_244 : vector<16xf32>
        scf.yield %add3A_245 : vector<16xf32>
      }
      %scan3A_97 = arith.constant 256 : i32
      %mul3A_98 = arith.constant 3.906250e-03 : f32
      %mul3A_99 = vector.broadcast %mul3A_98 : f32 to vector<16xf32>
      %mul3A_100 = arith.mulf %scan3A_96, %mul3A_99 : vector<16xf32>
      %swap3A_101 = arith.constant 96 : index
      %swap3A_102 = tpu.vector_load %arg5[%swap3A_101] {strides = array<i32>} : memref<256xf32, #tpu.memory_space<vmem>>, vector<16xf32>,
      %swap3A_103 = vector.shape_cast %swap3A_102 : vector<16xf32> to vector<16xf32>
      %swap3A_104 = vector.shape_cast %mul3A_100 : vector<16xf32> to vector<16xf32>
      tpu.vector_store %arg5[%swap3A_101], %swap3A_104 {strides = array<i32>} : memref<256xf32, #tpu.memory_space<vmem>>, vector<16xf32>,
      %broadcast_in_dim3A_105 = arith.constant 0.000000e+00 : f32
      %broadcast_in_dim3A_106 = vector.broadcast %broadcast_in_dim3A_105 : f32 to vector<16xf32>
      %scan3A_107 = arith.constant 0 : i32
      %scan3A_108 = arith.constant 256 : i32
      %scan3A_109 = arith.addi %scan3A_107, %scan3A_108 : i32
      %scan3A_110 = arith.constant 1 : i32
      %scan3A_111 = scf.for %scan3A_240 = %scan3A_107 to %scan3A_109 step %scan3A_110 iter_args(%scan3A_241 = %broadcast_in_dim3A_106) -> (vector<16xf32>)  : i32 {
        %get3A = arith.index_cast %scan3A_240 : i32 to index
        %get3A_242 = arith.constant 112 : index
        %get3A_243 = tpu.vector_load %arg4[%get3A, %get3A_242] {strides = array<i32>} : memref<256x256xf32, #tpu.memory_space<vmem>>, vector<1x16xf32>,
        %get3A_244 = vector.shape_cast %get3A_243 : vector<1x16xf32> to vector<16xf32>
        %add3A_245 = arith.addf %scan3A_241, %get3A_244 : vector<16xf32>
        scf.yield %add3A_245 : vector<16xf32>
      }
      %scan3A_112 = arith.constant 256 : i32
      %mul3A_113 = arith.constant 3.906250e-03 : f32
      %mul3A_114 = vector.broadcast %mul3A_113 : f32 to vector<16xf32>
      %mul3A_115 = arith.mulf %scan3A_111, %mul3A_114 : vector<16xf32>
      %swap3A_116 = arith.constant 112 : index
      %swap3A_117 = tpu.vector_load %arg5[%swap3A_116] {strides = array<i32>} : memref<256xf32, #tpu.memory_space<vmem>>, vector<16xf32>,
      %swap3A_118 = vector.shape_cast %swap3A_117 : vector<16xf32> to vector<16xf32>
      %swap3A_119 = vector.shape_cast %mul3A_115 : vector<16xf32> to vector<16xf32>
      tpu.vector_store %arg5[%swap3A_116], %swap3A_119 {strides = array<i32>} : memref<256xf32, #tpu.memory_space<vmem>>, vector<16xf32>,
      %broadcast_in_dim3A_120 = arith.constant 0.000000e+00 : f32
      %broadcast_in_dim3A_121 = vector.broadcast %broadcast_in_dim3A_120 : f32 to vector<16xf32>
      %scan3A_122 = arith.constant 0 : i32
      %scan3A_123 = arith.constant 256 : i32
      %scan3A_124 = arith.addi %scan3A_122, %scan3A_123 : i32
      %scan3A_125 = arith.constant 1 : i32
      %scan3A_126 = scf.for %scan3A_240 = %scan3A_122 to %scan3A_124 step %scan3A_125 iter_args(%scan3A_241 = %broadcast_in_dim3A_121) -> (vector<16xf32>)  : i32 {
        %get3A = arith.index_cast %scan3A_240 : i32 to index
        %get3A_242 = arith.constant 128 : index
        %get3A_243 = tpu.vector_load %arg4[%get3A, %get3A_242] {strides = array<i32>} : memref<256x256xf32, #tpu.memory_space<vmem>>, vector<1x16xf32>,
        %get3A_244 = vector.shape_cast %get3A_243 : vector<1x16xf32> to vector<16xf32>
        %add3A_245 = arith.addf %scan3A_241, %get3A_244 : vector<16xf32>
        scf.yield %add3A_245 : vector<16xf32>
      }
      %scan3A_127 = arith.constant 256 : i32
      %mul3A_128 = arith.constant 3.906250e-03 : f32
      %mul3A_129 = vector.broadcast %mul3A_128 : f32 to vector<16xf32>
      %mul3A_130 = arith.mulf %scan3A_126, %mul3A_129 : vector<16xf32>
      %swap3A_131 = arith.constant 128 : index
      %swap3A_132 = tpu.vector_load %arg5[%swap3A_131] {strides = array<i32>} : memref<256xf32, #tpu.memory_space<vmem>>, vector<16xf32>,
      %swap3A_133 = vector.shape_cast %swap3A_132 : vector<16xf32> to vector<16xf32>
      %swap3A_134 = vector.shape_cast %mul3A_130 : vector<16xf32> to vector<16xf32>
      tpu.vector_store %arg5[%swap3A_131], %swap3A_134 {strides = array<i32>} : memref<256xf32, #tpu.memory_space<vmem>>, vector<16xf32>,
      %broadcast_in_dim3A_135 = arith.constant 0.000000e+00 : f32
      %broadcast_in_dim3A_136 = vector.broadcast %broadcast_in_dim3A_135 : f32 to vector<16xf32>
      %scan3A_137 = arith.constant 0 : i32
      %scan3A_138 = arith.constant 256 : i32
      %scan3A_139 = arith.addi %scan3A_137, %scan3A_138 : i32
      %scan3A_140 = arith.constant 1 : i32
      %scan3A_141 = scf.for %scan3A_240 = %scan3A_137 to %scan3A_139 step %scan3A_140 iter_args(%scan3A_241 = %broadcast_in_dim3A_136) -> (vector<16xf32>)  : i32 {
        %get3A = arith.index_cast %scan3A_240 : i32 to index
        %get3A_242 = arith.constant 144 : index
        %get3A_243 = tpu.vector_load %arg4[%get3A, %get3A_242] {strides = array<i32>} : memref<256x256xf32, #tpu.memory_space<vmem>>, vector<1x16xf32>,
        %get3A_244 = vector.shape_cast %get3A_243 : vector<1x16xf32> to vector<16xf32>
        %add3A_245 = arith.addf %scan3A_241, %get3A_244 : vector<16xf32>
        scf.yield %add3A_245 : vector<16xf32>
      }
      %scan3A_142 = arith.constant 256 : i32
      %mul3A_143 = arith.constant 3.906250e-03 : f32
      %mul3A_144 = vector.broadcast %mul3A_143 : f32 to vector<16xf32>
      %mul3A_145 = arith.mulf %scan3A_141, %mul3A_144 : vector<16xf32>
      %swap3A_146 = arith.constant 144 : index
      %swap3A_147 = tpu.vector_load %arg5[%swap3A_146] {strides = array<i32>} : memref<256xf32, #tpu.memory_space<vmem>>, vector<16xf32>,
      %swap3A_148 = vector.shape_cast %swap3A_147 : vector<16xf32> to vector<16xf32>
      %swap3A_149 = vector.shape_cast %mul3A_145 : vector<16xf32> to vector<16xf32>
      tpu.vector_store %arg5[%swap3A_146], %swap3A_149 {strides = array<i32>} : memref<256xf32, #tpu.memory_space<vmem>>, vector<16xf32>,
      %broadcast_in_dim3A_150 = arith.constant 0.000000e+00 : f32
      %broadcast_in_dim3A_151 = vector.broadcast %broadcast_in_dim3A_150 : f32 to vector<16xf32>
      %scan3A_152 = arith.constant 0 : i32
      %scan3A_153 = arith.constant 256 : i32
      %scan3A_154 = arith.addi %scan3A_152, %scan3A_153 : i32
      %scan3A_155 = arith.constant 1 : i32
      %scan3A_156 = scf.for %scan3A_240 = %scan3A_152 to %scan3A_154 step %scan3A_155 iter_args(%scan3A_241 = %broadcast_in_dim3A_151) -> (vector<16xf32>)  : i32 {
        %get3A = arith.index_cast %scan3A_240 : i32 to index
        %get3A_242 = arith.constant 160 : index
        %get3A_243 = tpu.vector_load %arg4[%get3A, %get3A_242] {strides = array<i32>} : memref<256x256xf32, #tpu.memory_space<vmem>>, vector<1x16xf32>,
        %get3A_244 = vector.shape_cast %get3A_243 : vector<1x16xf32> to vector<16xf32>
        %add3A_245 = arith.addf %scan3A_241, %get3A_244 : vector<16xf32>
        scf.yield %add3A_245 : vector<16xf32>
      }
      %scan3A_157 = arith.constant 256 : i32
      %mul3A_158 = arith.constant 3.906250e-03 : f32
      %mul3A_159 = vector.broadcast %mul3A_158 : f32 to vector<16xf32>
      %mul3A_160 = arith.mulf %scan3A_156, %mul3A_159 : vector<16xf32>
      %swap3A_161 = arith.constant 160 : index
      %swap3A_162 = tpu.vector_load %arg5[%swap3A_161] {strides = array<i32>} : memref<256xf32, #tpu.memory_space<vmem>>, vector<16xf32>,
      %swap3A_163 = vector.shape_cast %swap3A_162 : vector<16xf32> to vector<16xf32>
      %swap3A_164 = vector.shape_cast %mul3A_160 : vector<16xf32> to vector<16xf32>
      tpu.vector_store %arg5[%swap3A_161], %swap3A_164 {strides = array<i32>} : memref<256xf32, #tpu.memory_space<vmem>>, vector<16xf32>,
      %broadcast_in_dim3A_165 = arith.constant 0.000000e+00 : f32
      %broadcast_in_dim3A_166 = vector.broadcast %broadcast_in_dim3A_165 : f32 to vector<16xf32>
      %scan3A_167 = arith.constant 0 : i32
      %scan3A_168 = arith.constant 256 : i32
      %scan3A_169 = arith.addi %scan3A_167, %scan3A_168 : i32
      %scan3A_170 = arith.constant 1 : i32
      %scan3A_171 = scf.for %scan3A_240 = %scan3A_167 to %scan3A_169 step %scan3A_170 iter_args(%scan3A_241 = %broadcast_in_dim3A_166) -> (vector<16xf32>)  : i32 {
        %get3A = arith.index_cast %scan3A_240 : i32 to index
        %get3A_242 = arith.constant 176 : index
        %get3A_243 = tpu.vector_load %arg4[%get3A, %get3A_242] {strides = array<i32>} : memref<256x256xf32, #tpu.memory_space<vmem>>, vector<1x16xf32>,
        %get3A_244 = vector.shape_cast %get3A_243 : vector<1x16xf32> to vector<16xf32>
        %add3A_245 = arith.addf %scan3A_241, %get3A_244 : vector<16xf32>
        scf.yield %add3A_245 : vector<16xf32>
      }
      %scan3A_172 = arith.constant 256 : i32
      %mul3A_173 = arith.constant 3.906250e-03 : f32
      %mul3A_174 = vector.broadcast %mul3A_173 : f32 to vector<16xf32>
      %mul3A_175 = arith.mulf %scan3A_171, %mul3A_174 : vector<16xf32>
      %swap3A_176 = arith.constant 176 : index
      %swap3A_177 = tpu.vector_load %arg5[%swap3A_176] {strides = array<i32>} : memref<256xf32, #tpu.memory_space<vmem>>, vector<16xf32>,
      %swap3A_178 = vector.shape_cast %swap3A_177 : vector<16xf32> to vector<16xf32>
      %swap3A_179 = vector.shape_cast %mul3A_175 : vector<16xf32> to vector<16xf32>
      tpu.vector_store %arg5[%swap3A_176], %swap3A_179 {strides = array<i32>} : memref<256xf32, #tpu.memory_space<vmem>>, vector<16xf32>,
      %broadcast_in_dim3A_180 = arith.constant 0.000000e+00 : f32
      %broadcast_in_dim3A_181 = vector.broadcast %broadcast_in_dim3A_180 : f32 to vector<16xf32>
      %scan3A_182 = arith.constant 0 : i32
      %scan3A_183 = arith.constant 256 : i32
      %scan3A_184 = arith.addi %scan3A_182, %scan3A_183 : i32
      %scan3A_185 = arith.constant 1 : i32
      %scan3A_186 = scf.for %scan3A_240 = %scan3A_182 to %scan3A_184 step %scan3A_185 iter_args(%scan3A_241 = %broadcast_in_dim3A_181) -> (vector<16xf32>)  : i32 {
        %get3A = arith.index_cast %scan3A_240 : i32 to index
        %get3A_242 = arith.constant 192 : index
        %get3A_243 = tpu.vector_load %arg4[%get3A, %get3A_242] {strides = array<i32>} : memref<256x256xf32, #tpu.memory_space<vmem>>, vector<1x16xf32>,
        %get3A_244 = vector.shape_cast %get3A_243 : vector<1x16xf32> to vector<16xf32>
        %add3A_245 = arith.addf %scan3A_241, %get3A_244 : vector<16xf32>
        scf.yield %add3A_245 : vector<16xf32>
      }
      %scan3A_187 = arith.constant 256 : i32
      %mul3A_188 = arith.constant 3.906250e-03 : f32
      %mul3A_189 = vector.broadcast %mul3A_188 : f32 to vector<16xf32>
      %mul3A_190 = arith.mulf %scan3A_186, %mul3A_189 : vector<16xf32>
      %swap3A_191 = arith.constant 192 : index
      %swap3A_192 = tpu.vector_load %arg5[%swap3A_191] {strides = array<i32>} : memref<256xf32, #tpu.memory_space<vmem>>, vector<16xf32>,
      %swap3A_193 = vector.shape_cast %swap3A_192 : vector<16xf32> to vector<16xf32>
      %swap3A_194 = vector.shape_cast %mul3A_190 : vector<16xf32> to vector<16xf32>
      tpu.vector_store %arg5[%swap3A_191], %swap3A_194 {strides = array<i32>} : memref<256xf32, #tpu.memory_space<vmem>>, vector<16xf32>,
      %broadcast_in_dim3A_195 = arith.constant 0.000000e+00 : f32
      %broadcast_in_dim3A_196 = vector.broadcast %broadcast_in_dim3A_195 : f32 to vector<16xf32>
      %scan3A_197 = arith.constant 0 : i32
      %scan3A_198 = arith.constant 256 : i32
      %scan3A_199 = arith.addi %scan3A_197, %scan3A_198 : i32
      %scan3A_200 = arith.constant 1 : i32
      %scan3A_201 = scf.for %scan3A_240 = %scan3A_197 to %scan3A_199 step %scan3A_200 iter_args(%scan3A_241 = %broadcast_in_dim3A_196) -> (vector<16xf32>)  : i32 {
        %get3A = arith.index_cast %scan3A_240 : i32 to index
        %get3A_242 = arith.constant 208 : index
        %get3A_243 = tpu.vector_load %arg4[%get3A, %get3A_242] {strides = array<i32>} : memref<256x256xf32, #tpu.memory_space<vmem>>, vector<1x16xf32>,
        %get3A_244 = vector.shape_cast %get3A_243 : vector<1x16xf32> to vector<16xf32>
        %add3A_245 = arith.addf %scan3A_241, %get3A_244 : vector<16xf32>
        scf.yield %add3A_245 : vector<16xf32>
      }
      %scan3A_202 = arith.constant 256 : i32
      %mul3A_203 = arith.constant 3.906250e-03 : f32
      %mul3A_204 = vector.broadcast %mul3A_203 : f32 to vector<16xf32>
      %mul3A_205 = arith.mulf %scan3A_201, %mul3A_204 : vector<16xf32>
      %swap3A_206 = arith.constant 208 : index
      %swap3A_207 = tpu.vector_load %arg5[%swap3A_206] {strides = array<i32>} : memref<256xf32, #tpu.memory_space<vmem>>, vector<16xf32>,
      %swap3A_208 = vector.shape_cast %swap3A_207 : vector<16xf32> to vector<16xf32>
      %swap3A_209 = vector.shape_cast %mul3A_205 : vector<16xf32> to vector<16xf32>
      tpu.vector_store %arg5[%swap3A_206], %swap3A_209 {strides = array<i32>} : memref<256xf32, #tpu.memory_space<vmem>>, vector<16xf32>,
      %broadcast_in_dim3A_210 = arith.constant 0.000000e+00 : f32
      %broadcast_in_dim3A_211 = vector.broadcast %broadcast_in_dim3A_210 : f32 to vector<16xf32>
      %scan3A_212 = arith.constant 0 : i32
      %scan3A_213 = arith.constant 256 : i32
      %scan3A_214 = arith.addi %scan3A_212, %scan3A_213 : i32
      %scan3A_215 = arith.constant 1 : i32
      %scan3A_216 = scf.for %scan3A_240 = %scan3A_212 to %scan3A_214 step %scan3A_215 iter_args(%scan3A_241 = %broadcast_in_dim3A_211) -> (vector<16xf32>)  : i32 {
        %get3A = arith.index_cast %scan3A_240 : i32 to index
        %get3A_242 = arith.constant 224 : index
        %get3A_243 = tpu.vector_load %arg4[%get3A, %get3A_242] {strides = array<i32>} : memref<256x256xf32, #tpu.memory_space<vmem>>, vector<1x16xf32>,
        %get3A_244 = vector.shape_cast %get3A_243 : vector<1x16xf32> to vector<16xf32>
        %add3A_245 = arith.addf %scan3A_241, %get3A_244 : vector<16xf32>
        scf.yield %add3A_245 : vector<16xf32>
      }
      %scan3A_217 = arith.constant 256 : i32
      %mul3A_218 = arith.constant 3.906250e-03 : f32
      %mul3A_219 = vector.broadcast %mul3A_218 : f32 to vector<16xf32>
      %mul3A_220 = arith.mulf %scan3A_216, %mul3A_219 : vector<16xf32>
      %swap3A_221 = arith.constant 224 : index
      %swap3A_222 = tpu.vector_load %arg5[%swap3A_221] {strides = array<i32>} : memref<256xf32, #tpu.memory_space<vmem>>, vector<16xf32>,
      %swap3A_223 = vector.shape_cast %swap3A_222 : vector<16xf32> to vector<16xf32>
      %swap3A_224 = vector.shape_cast %mul3A_220 : vector<16xf32> to vector<16xf32>
      tpu.vector_store %arg5[%swap3A_221], %swap3A_224 {strides = array<i32>} : memref<256xf32, #tpu.memory_space<vmem>>, vector<16xf32>,
      %broadcast_in_dim3A_225 = arith.constant 0.000000e+00 : f32
      %broadcast_in_dim3A_226 = vector.broadcast %broadcast_in_dim3A_225 : f32 to vector<16xf32>
      %scan3A_227 = arith.constant 0 : i32
      %scan3A_228 = arith.constant 256 : i32
      %scan3A_229 = arith.addi %scan3A_227, %scan3A_228 : i32
      %scan3A_230 = arith.constant 1 : i32
      %scan3A_231 = scf.for %scan3A_240 = %scan3A_227 to %scan3A_229 step %scan3A_230 iter_args(%scan3A_241 = %broadcast_in_dim3A_226) -> (vector<16xf32>)  : i32 {
        %get3A = arith.index_cast %scan3A_240 : i32 to index
        %get3A_242 = arith.constant 240 : index
        %get3A_243 = tpu.vector_load %arg4[%get3A, %get3A_242] {strides = array<i32>} : memref<256x256xf32, #tpu.memory_space<vmem>>, vector<1x16xf32>,
        %get3A_244 = vector.shape_cast %get3A_243 : vector<1x16xf32> to vector<16xf32>
        %add3A_245 = arith.addf %scan3A_241, %get3A_244 : vector<16xf32>
        scf.yield %add3A_245 : vector<16xf32>
      }
      %scan3A_232 = arith.constant 256 : i32
      %mul3A_233 = arith.constant 3.906250e-03 : f32
      %mul3A_234 = vector.broadcast %mul3A_233 : f32 to vector<16xf32>
      %mul3A_235 = arith.mulf %scan3A_231, %mul3A_234 : vector<16xf32>
      %swap3A_236 = arith.constant 240 : index
      %swap3A_237 = tpu.vector_load %arg5[%swap3A_236] {strides = array<i32>} : memref<256xf32, #tpu.memory_space<vmem>>, vector<16xf32>,
      %swap3A_238 = vector.shape_cast %swap3A_237 : vector<16xf32> to vector<16xf32>
      %swap3A_239 = vector.shape_cast %mul3A_235 : vector<16xf32> to vector<16xf32>
      tpu.vector_store %arg5[%swap3A_236], %swap3A_239 {strides = array<i32>} : memref<256xf32, #tpu.memory_space<vmem>>, vector<16xf32>,
      "tpu.region"() ({
        %run_scoped3A = tpu.sem_alloc : memref<!tpu.dma_semaphore, #tpu.memory_space<semaphore_mem>>
        %dma_start3A = arith.constant 0 : i32
        %dma_start3A_240 = tpu.memref_slice %arg3[%add3A, %dma_start3A] : memref<16x256xf32, #tpu.memory_space<hbm>> -> memref<1x256xf32, #tpu.memory_space<hbm>>
        %dma_start3A_241 = tpu.memref_squeeze %dma_start3A_240 : memref<1x256xf32, #tpu.memory_space<hbm>> -> memref<256xf32, #tpu.memory_space<hbm>>
        %dma_start3A_242 = arith.constant 0 : i32
        %dma_start3A_243 = tpu.memref_slice %arg3[%add3A, %dma_start3A_242] : memref<16x256xf32, #tpu.memory_space<hbm>> -> memref<1x256xf32, #tpu.memory_space<hbm>>
        %dma_start3A_244 = tpu.memref_squeeze %dma_start3A_243 : memref<1x256xf32, #tpu.memory_space<hbm>> -> memref<256xf32, #tpu.memory_space<hbm>>
        tpu.enqueue_dma source(%arg5 : memref<256xf32, #tpu.memory_space<vmem>>) target(%dma_start3A_244 : memref<256xf32, #tpu.memory_space<hbm>>) target_semaphore(%run_scoped3A : memref<!tpu.dma_semaphore, #tpu.memory_space<semaphore_mem>>)
        %dma_wait3A = arith.constant 0 : i32
        %dma_wait3A_245 = tpu.memref_slice %arg3[%add3A, %dma_wait3A] : memref<16x256xf32, #tpu.memory_space<hbm>> -> memref<1x256xf32, #tpu.memory_space<hbm>>
        %dma_wait3A_246 = tpu.memref_squeeze %dma_wait3A_245 : memref<1x256xf32, #tpu.memory_space<hbm>> -> memref<256xf32, #tpu.memory_space<hbm>>
        %dma_wait3A_247 = arith.constant 0 : i32
        %dma_wait3A_248 = tpu.memref_slice %arg3[%add3A, %dma_wait3A_247] : memref<16x256xf32, #tpu.memory_space<hbm>> -> memref<1x256xf32, #tpu.memory_space<hbm>>
        %dma_wait3A_249 = tpu.memref_squeeze %dma_wait3A_248 : memref<1x256xf32, #tpu.memory_space<hbm>> -> memref<256xf32, #tpu.memory_space<hbm>>
        tpu.wait_dma2 semaphore(%run_scoped3A : memref<!tpu.dma_semaphore, #tpu.memory_space<semaphore_mem>>) src(%arg5 : memref<256xf32, #tpu.memory_space<vmem>>) dst(%dma_wait3A_249 : memref<256xf32, #tpu.memory_space<hbm>>)
        tpu.yield
      }) : () -> ()
    } else {
    }
    return
  }
}

module attributes {stable_mosaic.version = 14 : i64} {
  func.func @_encoder_kernel(%arg0: memref<16x256x128xf32, #tpu.memory_space<vmem>>, %arg1: memref<16x256x256xf32, #tpu.memory_space<vmem>>, %arg2: memref<128x256xf32, #tpu.memory_space<vmem>>, %arg3: memref<256x256xf32, #tpu.memory_space<vmem>>, %arg4: memref<256x256xf32, #tpu.memory_space<vmem>>, %arg5: memref<3x256xf32, #tpu.memory_space<vmem>>, %arg6: memref<3x256xf32, #tpu.memory_space<vmem>>, %arg7: memref<16x256x256xf32, #tpu.memory_space<vmem>>) attributes {dimension_semantics = [], scalar_prefetch = 0 : i64, scratch_operands = 0 : i64, tpu.core_type = #tpu.core_type<tc>} {
    %iota3A = tpu.iota {dimensions = array<i32: 0>} : vector<256x256xi32>
    %iota3A_0 = tpu.iota {dimensions = array<i32: 1>} : vector<256x256xi32>
    %eq3A = arith.cmpi eq, %iota3A, %iota3A_0 : vector<256x256xi32>
    %convert_element_type3A = arith.extui %eq3A : vector<256x256xi1> to vector<256x256xi32>
    %convert_element_type3A_1 = arith.sitofp %convert_element_type3A : vector<256x256xi32> to vector<256x256xf32>
    %get3A = arith.constant 0 : index
    %get3A_2 = arith.constant 0 : index
    %get3A_3 = arith.constant 0 : index
    %get3A_4 = vector.load %arg1[%get3A, %get3A_2, %get3A_3] : memref<16x256x256xf32, #tpu.memory_space<vmem>>, vector<16x256x256xf32>
    %broadcast_in_dim3A = vector.shape_cast %convert_element_type3A_1 : vector<256x256xf32> to vector<1x256x256xf32>
    %add3A = vector.broadcast %broadcast_in_dim3A : vector<1x256x256xf32> to vector<16x256x256xf32>
    %add3A_5 = arith.addf %get3A_4, %add3A : vector<16x256x256xf32>
    %reduce_sum3A = arith.constant dense<0.000000e+00> : vector<16x256xf32>
    %reduce_sum3A_6 = vector.multi_reduction <add>, %add3A_5, %reduce_sum3A [1] : vector<16x256x256xf32> to vector<16x256xf32>
    %rsqrt3A = math.rsqrt %reduce_sum3A_6 : vector<16x256xf32>
    %broadcast_in_dim3A_7 = vector.shape_cast %rsqrt3A : vector<16x256xf32> to vector<16x256x1xf32>
    %broadcast_in_dim3A_8 = vector.shape_cast %rsqrt3A : vector<16x256xf32> to vector<16x1x256xf32>
    %mul3A = vector.broadcast %broadcast_in_dim3A_7 : vector<16x256x1xf32> to vector<16x256x256xf32>
    %mul3A_9 = vector.broadcast %broadcast_in_dim3A_8 : vector<16x1x256xf32> to vector<16x256x256xf32>
    %mul3A_10 = arith.mulf %mul3A, %mul3A_9 : vector<16x256x256xf32>
    %mul3A_11 = arith.mulf %add3A_5, %mul3A_10 : vector<16x256x256xf32>
    %get3A_12 = arith.constant 0 : index
    %get3A_13 = arith.constant 0 : index
    %get3A_14 = arith.constant 0 : index
    %get3A_15 = vector.load %arg0[%get3A_12, %get3A_13, %get3A_14] : memref<16x256x128xf32, #tpu.memory_space<vmem>>, vector<16x256x128xf32>
    %dot_general3A = arith.constant dense<0.000000e+00> : vector<16x256x128xf32>
    %dot_general3A_16 = tpu.matmul %mul3A_11, %get3A_15, %dot_general3A {dimension_numbers = #tpu.dot_dimension_numbers<[1], [1], [2], [2], [0, 0, 0, 2, 1, 2], [0], [0]>, transpose_lhs_hint = false} : vector<16x256x256xf32>, vector<16x256x128xf32>, vector<16x256x128xf32> -> vector<16x256x128xf32>
    %reshape3A = vector.shape_cast %dot_general3A_16 : vector<16x256x128xf32> to vector<4096x128xf32>
    %get3A_17 = arith.constant 0 : index
    %get3A_18 = arith.constant 0 : index
    %get3A_19 = vector.load %arg2[%get3A_17, %get3A_18] : memref<128x256xf32, #tpu.memory_space<vmem>>, vector<128x256xf32>
    %dot_general3A_20 = arith.constant dense<0.000000e+00> : vector<4096x256xf32>
    %dot_general3A_21 = tpu.matmul %reshape3A, %get3A_19, %dot_general3A_20 {dimension_numbers = #tpu.dot_dimension_numbers<[1], [0], [0], [1], [0, 0, 1, 1], [], []>, transpose_lhs_hint = false} : vector<4096x128xf32>, vector<128x256xf32>, vector<4096x256xf32> -> vector<4096x256xf32>
    %reduce_sum3A_22 = arith.constant dense<0.000000e+00> : vector<256xf32>
    %reduce_sum3A_23 = vector.multi_reduction <add>, %dot_general3A_21, %reduce_sum3A_22 [0] : vector<4096x256xf32> to vector<256xf32>
    %mul3A_24 = arith.mulf %dot_general3A_21, %dot_general3A_21 : vector<4096x256xf32>
    %reduce_sum3A_25 = arith.constant dense<0.000000e+00> : vector<256xf32>
    %reduce_sum3A_26 = vector.multi_reduction <add>, %mul3A_24, %reduce_sum3A_25 [0] : vector<4096x256xf32> to vector<256xf32>
    %mul3A_27 = arith.constant 2.44140625E-4 : f32
    %mul3A_28 = vector.broadcast %mul3A_27 : f32 to vector<256xf32>
    %mul3A_29 = arith.mulf %reduce_sum3A_23, %mul3A_28 : vector<256xf32>
    %mul3A_30 = arith.constant 2.44140625E-4 : f32
    %mul3A_31 = vector.broadcast %mul3A_30 : f32 to vector<256xf32>
    %mul3A_32 = arith.mulf %reduce_sum3A_26, %mul3A_31 : vector<256xf32>
    %mul3A_33 = arith.mulf %mul3A_29, %mul3A_29 : vector<256xf32>
    %sub3A = arith.subf %mul3A_32, %mul3A_33 : vector<256xf32>
    %get3A_34 = arith.constant 0 : index
    %get3A_35 = arith.constant 0 : index
    %get3A_36 = vector.load %arg5[%get3A_34, %get3A_35] : memref<3x256xf32, #tpu.memory_space<vmem>>, vector<1x256xf32>
    %get3A_37 = vector.shape_cast %get3A_36 : vector<1x256xf32> to vector<256xf32>
    %add3A_38 = arith.constant 9.99999974E-6 : f32
    %add3A_39 = vector.broadcast %add3A_38 : f32 to vector<256xf32>
    %add3A_40 = arith.addf %sub3A, %add3A_39 : vector<256xf32>
    %rsqrt3A_41 = math.rsqrt %add3A_40 : vector<256xf32>
    %mul3A_42 = arith.mulf %get3A_37, %rsqrt3A_41 : vector<256xf32>
    %get3A_43 = arith.constant 0 : index
    %get3A_44 = arith.constant 0 : index
    %get3A_45 = vector.load %arg6[%get3A_43, %get3A_44] : memref<3x256xf32, #tpu.memory_space<vmem>>, vector<1x256xf32>
    %get3A_46 = vector.shape_cast %get3A_45 : vector<1x256xf32> to vector<256xf32>
    %mul3A_47 = arith.mulf %mul3A_29, %mul3A_42 : vector<256xf32>
    %sub3A_48 = arith.subf %get3A_46, %mul3A_47 : vector<256xf32>
    %broadcast_in_dim3A_49 = vector.shape_cast %mul3A_42 : vector<256xf32> to vector<1x256xf32>
    %mul3A_50 = vector.broadcast %broadcast_in_dim3A_49 : vector<1x256xf32> to vector<4096x256xf32>
    %mul3A_51 = arith.mulf %dot_general3A_21, %mul3A_50 : vector<4096x256xf32>
    %broadcast_in_dim3A_52 = vector.shape_cast %sub3A_48 : vector<256xf32> to vector<1x256xf32>
    %add3A_53 = vector.broadcast %broadcast_in_dim3A_52 : vector<1x256xf32> to vector<4096x256xf32>
    %add3A_54 = arith.addf %mul3A_51, %add3A_53 : vector<4096x256xf32>
    %max3A = arith.constant 0.000000e+00 : f32
    %max3A_55 = vector.broadcast %max3A : f32 to vector<4096x256xf32>
    %max3A_56 = arith.maximumf %add3A_54, %max3A_55 : vector<4096x256xf32>
    %reshape3A_57 = vector.shape_cast %max3A_56 : vector<4096x256xf32> to vector<16x256x256xf32>
    %dot_general3A_58 = arith.constant dense<0.000000e+00> : vector<16x256x256xf32>
    %dot_general3A_59 = tpu.matmul %mul3A_11, %reshape3A_57, %dot_general3A_58 {dimension_numbers = #tpu.dot_dimension_numbers<[1], [1], [2], [2], [0, 0, 0, 2, 1, 2], [0], [0]>, transpose_lhs_hint = false} : vector<16x256x256xf32>, vector<16x256x256xf32>, vector<16x256x256xf32> -> vector<16x256x256xf32>
    %reshape3A_60 = vector.shape_cast %dot_general3A_59 : vector<16x256x256xf32> to vector<4096x256xf32>
    %get3A_61 = arith.constant 0 : index
    %get3A_62 = arith.constant 0 : index
    %get3A_63 = vector.load %arg3[%get3A_61, %get3A_62] : memref<256x256xf32, #tpu.memory_space<vmem>>, vector<256x256xf32>
    %dot_general3A_64 = arith.constant dense<0.000000e+00> : vector<4096x256xf32>
    %dot_general3A_65 = tpu.matmul %reshape3A_60, %get3A_63, %dot_general3A_64 {dimension_numbers = #tpu.dot_dimension_numbers<[1], [0], [0], [1], [0, 0, 1, 1], [], []>, transpose_lhs_hint = false} : vector<4096x256xf32>, vector<256x256xf32>, vector<4096x256xf32> -> vector<4096x256xf32>
    %reduce_sum3A_66 = arith.constant dense<0.000000e+00> : vector<256xf32>
    %reduce_sum3A_67 = vector.multi_reduction <add>, %dot_general3A_65, %reduce_sum3A_66 [0] : vector<4096x256xf32> to vector<256xf32>
    %mul3A_68 = arith.mulf %dot_general3A_65, %dot_general3A_65 : vector<4096x256xf32>
    %reduce_sum3A_69 = arith.constant dense<0.000000e+00> : vector<256xf32>
    %reduce_sum3A_70 = vector.multi_reduction <add>, %mul3A_68, %reduce_sum3A_69 [0] : vector<4096x256xf32> to vector<256xf32>
    %mul3A_71 = arith.constant 2.44140625E-4 : f32
    %mul3A_72 = vector.broadcast %mul3A_71 : f32 to vector<256xf32>
    %mul3A_73 = arith.mulf %reduce_sum3A_67, %mul3A_72 : vector<256xf32>
    %mul3A_74 = arith.constant 2.44140625E-4 : f32
    %mul3A_75 = vector.broadcast %mul3A_74 : f32 to vector<256xf32>
    %mul3A_76 = arith.mulf %reduce_sum3A_70, %mul3A_75 : vector<256xf32>
    %mul3A_77 = arith.mulf %mul3A_73, %mul3A_73 : vector<256xf32>
    %sub3A_78 = arith.subf %mul3A_76, %mul3A_77 : vector<256xf32>
    %get3A_79 = arith.constant 1 : index
    %get3A_80 = arith.constant 0 : index
    %get3A_81 = vector.load %arg5[%get3A_79, %get3A_80] : memref<3x256xf32, #tpu.memory_space<vmem>>, vector<1x256xf32>
    %get3A_82 = vector.shape_cast %get3A_81 : vector<1x256xf32> to vector<256xf32>
    %add3A_83 = arith.constant 9.99999974E-6 : f32
    %add3A_84 = vector.broadcast %add3A_83 : f32 to vector<256xf32>
    %add3A_85 = arith.addf %sub3A_78, %add3A_84 : vector<256xf32>
    %rsqrt3A_86 = math.rsqrt %add3A_85 : vector<256xf32>
    %mul3A_87 = arith.mulf %get3A_82, %rsqrt3A_86 : vector<256xf32>
    %get3A_88 = arith.constant 1 : index
    %get3A_89 = arith.constant 0 : index
    %get3A_90 = vector.load %arg6[%get3A_88, %get3A_89] : memref<3x256xf32, #tpu.memory_space<vmem>>, vector<1x256xf32>
    %get3A_91 = vector.shape_cast %get3A_90 : vector<1x256xf32> to vector<256xf32>
    %mul3A_92 = arith.mulf %mul3A_73, %mul3A_87 : vector<256xf32>
    %sub3A_93 = arith.subf %get3A_91, %mul3A_92 : vector<256xf32>
    %broadcast_in_dim3A_94 = vector.shape_cast %mul3A_87 : vector<256xf32> to vector<1x256xf32>
    %mul3A_95 = vector.broadcast %broadcast_in_dim3A_94 : vector<1x256xf32> to vector<4096x256xf32>
    %mul3A_96 = arith.mulf %dot_general3A_65, %mul3A_95 : vector<4096x256xf32>
    %broadcast_in_dim3A_97 = vector.shape_cast %sub3A_93 : vector<256xf32> to vector<1x256xf32>
    %add3A_98 = vector.broadcast %broadcast_in_dim3A_97 : vector<1x256xf32> to vector<4096x256xf32>
    %add3A_99 = arith.addf %mul3A_96, %add3A_98 : vector<4096x256xf32>
    %max3A_100 = arith.constant 0.000000e+00 : f32
    %max3A_101 = vector.broadcast %max3A_100 : f32 to vector<4096x256xf32>
    %max3A_102 = arith.maximumf %add3A_99, %max3A_101 : vector<4096x256xf32>
    %reshape3A_103 = vector.shape_cast %reshape3A_57 : vector<16x256x256xf32> to vector<4096x256xf32>
    %add3A_104 = arith.addf %max3A_102, %reshape3A_103 : vector<4096x256xf32>
    %reshape3A_105 = vector.shape_cast %add3A_104 : vector<4096x256xf32> to vector<16x256x256xf32>
    %dot_general3A_106 = arith.constant dense<0.000000e+00> : vector<16x256x256xf32>
    %dot_general3A_107 = tpu.matmul %mul3A_11, %reshape3A_105, %dot_general3A_106 {dimension_numbers = #tpu.dot_dimension_numbers<[1], [1], [2], [2], [0, 0, 0, 2, 1, 2], [0], [0]>, transpose_lhs_hint = false} : vector<16x256x256xf32>, vector<16x256x256xf32>, vector<16x256x256xf32> -> vector<16x256x256xf32>
    %reshape3A_108 = vector.shape_cast %dot_general3A_107 : vector<16x256x256xf32> to vector<4096x256xf32>
    %get3A_109 = arith.constant 0 : index
    %get3A_110 = arith.constant 0 : index
    %get3A_111 = vector.load %arg4[%get3A_109, %get3A_110] : memref<256x256xf32, #tpu.memory_space<vmem>>, vector<256x256xf32>
    %dot_general3A_112 = arith.constant dense<0.000000e+00> : vector<4096x256xf32>
    %dot_general3A_113 = tpu.matmul %reshape3A_108, %get3A_111, %dot_general3A_112 {dimension_numbers = #tpu.dot_dimension_numbers<[1], [0], [0], [1], [0, 0, 1, 1], [], []>, transpose_lhs_hint = false} : vector<4096x256xf32>, vector<256x256xf32>, vector<4096x256xf32> -> vector<4096x256xf32>
    %reduce_sum3A_114 = arith.constant dense<0.000000e+00> : vector<256xf32>
    %reduce_sum3A_115 = vector.multi_reduction <add>, %dot_general3A_113, %reduce_sum3A_114 [0] : vector<4096x256xf32> to vector<256xf32>
    %mul3A_116 = arith.mulf %dot_general3A_113, %dot_general3A_113 : vector<4096x256xf32>
    %reduce_sum3A_117 = arith.constant dense<0.000000e+00> : vector<256xf32>
    %reduce_sum3A_118 = vector.multi_reduction <add>, %mul3A_116, %reduce_sum3A_117 [0] : vector<4096x256xf32> to vector<256xf32>
    %mul3A_119 = arith.constant 2.44140625E-4 : f32
    %mul3A_120 = vector.broadcast %mul3A_119 : f32 to vector<256xf32>
    %mul3A_121 = arith.mulf %reduce_sum3A_115, %mul3A_120 : vector<256xf32>
    %mul3A_122 = arith.constant 2.44140625E-4 : f32
    %mul3A_123 = vector.broadcast %mul3A_122 : f32 to vector<256xf32>
    %mul3A_124 = arith.mulf %reduce_sum3A_118, %mul3A_123 : vector<256xf32>
    %mul3A_125 = arith.mulf %mul3A_121, %mul3A_121 : vector<256xf32>
    %sub3A_126 = arith.subf %mul3A_124, %mul3A_125 : vector<256xf32>
    %get3A_127 = arith.constant 2 : index
    %get3A_128 = arith.constant 0 : index
    %get3A_129 = vector.load %arg5[%get3A_127, %get3A_128] : memref<3x256xf32, #tpu.memory_space<vmem>>, vector<1x256xf32>
    %get3A_130 = vector.shape_cast %get3A_129 : vector<1x256xf32> to vector<256xf32>
    %add3A_131 = arith.constant 9.99999974E-6 : f32
    %add3A_132 = vector.broadcast %add3A_131 : f32 to vector<256xf32>
    %add3A_133 = arith.addf %sub3A_126, %add3A_132 : vector<256xf32>
    %rsqrt3A_134 = math.rsqrt %add3A_133 : vector<256xf32>
    %mul3A_135 = arith.mulf %get3A_130, %rsqrt3A_134 : vector<256xf32>
    %get3A_136 = arith.constant 2 : index
    %get3A_137 = arith.constant 0 : index
    %get3A_138 = vector.load %arg6[%get3A_136, %get3A_137] : memref<3x256xf32, #tpu.memory_space<vmem>>, vector<1x256xf32>
    %get3A_139 = vector.shape_cast %get3A_138 : vector<1x256xf32> to vector<256xf32>
    %mul3A_140 = arith.mulf %mul3A_121, %mul3A_135 : vector<256xf32>
    %sub3A_141 = arith.subf %get3A_139, %mul3A_140 : vector<256xf32>
    %broadcast_in_dim3A_142 = vector.shape_cast %mul3A_135 : vector<256xf32> to vector<1x256xf32>
    %mul3A_143 = vector.broadcast %broadcast_in_dim3A_142 : vector<1x256xf32> to vector<4096x256xf32>
    %mul3A_144 = arith.mulf %dot_general3A_113, %mul3A_143 : vector<4096x256xf32>
    %broadcast_in_dim3A_145 = vector.shape_cast %sub3A_141 : vector<256xf32> to vector<1x256xf32>
    %add3A_146 = vector.broadcast %broadcast_in_dim3A_145 : vector<1x256xf32> to vector<4096x256xf32>
    %add3A_147 = arith.addf %mul3A_144, %add3A_146 : vector<4096x256xf32>
    %max3A_148 = arith.constant 0.000000e+00 : f32
    %max3A_149 = vector.broadcast %max3A_148 : f32 to vector<4096x256xf32>
    %max3A_150 = arith.maximumf %add3A_147, %max3A_149 : vector<4096x256xf32>
    %reshape3A_151 = vector.shape_cast %reshape3A_105 : vector<16x256x256xf32> to vector<4096x256xf32>
    %add3A_152 = arith.addf %max3A_150, %reshape3A_151 : vector<4096x256xf32>
    %reshape3A_153 = vector.shape_cast %add3A_152 : vector<4096x256xf32> to vector<16x256x256xf32>
    %swap3A = arith.constant 0 : index
    %swap3A_154 = arith.constant 0 : index
    %swap3A_155 = arith.constant 0 : index
    %swap3A_156 = vector.load %arg7[%swap3A, %swap3A_154, %swap3A_155] : memref<16x256x256xf32, #tpu.memory_space<vmem>>, vector<16x256x256xf32>
    tpu.vector_store %arg7[%swap3A, %swap3A_154, %swap3A_155], %reshape3A_153 {strides = array<i32>} : memref<16x256x256xf32, #tpu.memory_space<vmem>>, vector<16x256x256xf32>,
    return
  }
}

</mosaic_0001>

<sc_bundles>
// kernel: kernel.4.cloned.1.call-start
scs
__scs_entry_jumppad:
0x0: {  	(pc) =	sbr.rel $0x88, $3  }
0x1: {  	(tag) =	ssettag $0x0;
	lr =	simm.s32 $0x1  }
0x2: {  	[smem:$0x3F98] =	sst lr;
	_ =	strace $0xD0000000  }
0x3: {  	_ = 	snop  }
0x4: {  	_ = 	snop  }
0x5: {  	_ = 	snop  }
0x6: {  	_ = 	snop  }
0x7: {  	_ = 	snop  }
__scs_overlays_trampoline_lowered:
0x8: {  	[smem:$0x3FA7] =	sst s0  }
0x9: {  	[smem:$0x3FA8] =	sst s1  }
0xa: {  	[smem:$0x3FA9] =	sst s2  }
0xb: {  	[smem:$0x3FAA] =	sst s3  }
0xc: {  	[smem:$0x3FAB] =	sst s4  }
0xd: {  	[smem:$0x3FAC] =	sst s5  }
0xe: {  	[smem:$0x3FAD] =	sst s6  }
0xf: {  	[smem:$0x3FAE] =	sst s7  }
0x10: {  	[smem:$0x3FAF] =	sst s8  }
0x11: {  	[smem:$0x3FB0] =	sst s9;
	s0 =	simm.s32 @!p0 $0x0  }
0x12: {  	s1 =	sld [smem:$0x3F96];
	s0 =	simm.s32 @p0 $0x1  }
0x13: {  	[smem:$0x3FB1] =	sst s0;
	s0 =	simm.s32 @!p1 $0x0  }
0x14: {  	s2 =	sld [smem:$0x3F95];
	s0 =	simm.s32 @p1 $0x1  }
0x15: {  	[smem:$0x3FB2] =	sst s0;
	s0 =	simm.s32 @!p2 $0x0  }
0x16: {  	s3 =	sld [smem:$0x3FDB];
	s0 =	simm.s32 @p2 $0x1  }
0x17: {  	s4 =	simm.s32 $0x1BF5;
	[smem:$0x3FB4] =	sst s0  }
0x18: {  	s0 =	sld [smem:$0x3F97];
	_ =	swait.ge [sflag:s4], $0x0  }
0x19: {  	s7 =	sld [smem:$0x3F98]  }
0x1a: {  	s8 =	sadd.s32 $0xFFFFE003, lr  }
0x1b: {  	s9 =	sadd.s32 $0xFFFFFEF7, lr;
	s5 =	simm.s32 $0xFFFFFFFF;
	p2 =	slt.u32 s8, $0xFFFFF086  }
0x1c: {  	p1 =	slt.u32 s9, $0xF7A;
	s5 =	simm.s32 @!p2 $0x0  }
0x1d: {  	s5 =	simm.s32 @p1 $0x1;
	p0 =	seq.s32 s7, s2  }
0x1e: {  	s7 =	smul.u32 @!p0 $0xF7A, s2;
	p2 =	seq.s32 @!p0 s5, $0x0  }
0x1f: {  	s9 =	smul.u32 $0xF7A, s1;
	s8 =	simm.s32 @!p0 $0x1BF5;
	p2 =	por !p2, p0  }
0x20: {  	[sflag:s8] =	ssyncset.s32 @!p0 $0xFFFFF086;
	s6 =	sadd.s32 @!p0 s3, s7;
	s7 =	simm.s32 @!p0 $0x108  }
0x21: {  	s3 =	sadd.s32 s3, s9;
	s6 =	sadd.s32 @!p0 $0x88, s6;
	s7 =	simm.s32 @p2 $0x1082  }
0x22: {  	[simem:s7], [sflag:s8] =	dma.local @!p0 [hbm:s6], $0xF7A  }
0x23: {  	s9 =	sor.u32 $0xD0000000, s2;
	s6 =	simm.s32 $0x108;
	_ =	swait.ge @!p0 [sflag:s8], $0x0  }
0x24: {  	s3 =	sadd.s32 $0x88, s3;
	s6 =	simm.s32 @!p1 $0x1082;
	[sflag:s4] =	ssyncset.s32 $0xFFFFF086  }
0x25: {  	[simem:s6], [sflag:s4] =	dma.local [hbm:s3], $0xF7A  }
0x26: {  	[smem:$0x3F98] =	sst s1;
	(tag) =	ssettag s2;
	_ =	strace s9  }
0x27: {  	s1 =	sld [smem:$0x3FA8]  }
0x28: {  	s2 =	sld [smem:$0x3FA9]  }
0x29: {  	s4 =	sld [smem:$0x3FAB]  }
0x2a: {  	p0 =	seq.s32 s5, $0x0;
	s5 =	sld [smem:$0x3FAC]  }
0x2b: {  	s6 =	sld [smem:$0x3FAD]  }
0x2c: {  	s7 =	sld [smem:$0x3FAE]  }
0x2d: {  	s3 =	simm.s32 $0x108;
	s8 =	sld [smem:$0x3FAF]  }
0x2e: {  	s3 =	simm.s32 @!p0 $0x1082;
	s9 =	sld [smem:$0x3FB0]  }
0x2f: {  	lr =	sadd.s32 s0, s3;
	s0 =	sld [smem:$0x3FA7]  }
0x30: {  	s3 =	sld [smem:$0x3FAA]  }
0x31: {  	[smem:$0x3FB3] =	sst s10  }
0x32: {  	s10 =	sld [smem:$0x3FB1];
	_ =	sdelay $0x3  }
0x33: {  	p0 =	seq.s32 s10, $0x1;
	s10 =	sld [smem:$0x3FB3];
	_ =	sdelay $0x3  }
0x34: {  	[smem:$0x3FB3] =	sst s10  }
0x35: {  	s10 =	sld [smem:$0x3FB2];
	_ =	sdelay $0x3  }
0x36: {  	p1 =	seq.s32 s10, $0x1;
	s10 =	sld [smem:$0x3FB3];
	_ =	sdelay $0x3  }
0x37: {  	[smem:$0x3FB3] =	sst s10  }
0x38: {  	s10 =	sld [smem:$0x3FB4]  }
0x39: {  	_ = 	snop;
	(pc) =	sbr.ind lr, $3  }
0x3a: {  	_ = 	snop  }
0x3b: {  	_ = 	snop  }
0x3c: {  	p2 =	seq.s32 s10, $0x1;
	s10 =	sld [smem:$0x3FB3]  }
0x3d: {  	_ =	shalt  }
0x3e: {  	_ =	shalt  }
0x3f: {  	_ =	shalt  }
0x40: {  	_ =	shalt  }
0x41: {  	_ =	shalt  }
0x42: {  	_ =	shalt  }
0x43: {  	_ =	shalt  }
0x44: {  	_ =	shalt  }
0x45: {  	_ =	shalt  }
0x46: {  	_ =	shalt  }
0x47: {  	_ =	shalt  }
0x48: {  	_ =	shalt  }
0x49: {  	_ =	shalt  }
0x4a: {  	_ =	shalt  }
0x4b: {  	_ =	shalt  }
0x4c: {  	_ =	shalt  }
0x4d: {  	_ =	shalt  }
0x4e: {  	_ =	shalt  }
0x4f: {  	_ =	shalt  }
0x50: {  	_ =	shalt  }
0x51: {  	_ =	shalt  }
0x52: {  	_ =	shalt  }
0x53: {  	_ =	shalt  }
0x54: {  	_ =	shalt  }
0x55: {  	_ =	shalt  }
0x56: {  	_ =	shalt  }
0x57: {  	_ =	shalt  }
0x58: {  	_ =	shalt  }
0x59: {  	_ =	shalt  }
0x5a: {  	_ =	shalt  }
0x5b: {  	_ =	shalt  }
0x5c: {  	_ =	shalt  }
0x5d: {  	_ =	shalt  }
0x5e: {  	_ =	shalt  }
0x5f: {  	_ =	shalt  }
0x60: {  	_ =	shalt  }
0x61: {  	_ =	shalt  }
0x62: {  	_ =	shalt  }
0x63: {  	_ =	shalt  }
0x64: {  	_ =	shalt  }
0x65: {  	_ =	shalt  }
0x66: {  	_ =	shalt  }
0x67: {  	_ =	shalt  }
0x68: {  	_ =	shalt  }
0x69: {  	_ =	shalt  }
0x6a: {  	_ =	shalt  }
0x6b: {  	_ =	shalt  }
0x6c: {  	_ =	shalt  }
0x6d: {  	_ =	shalt  }
0x6e: {  	_ =	shalt  }
0x6f: {  	_ =	shalt  }
0x70: {  	_ =	shalt  }
0x71: {  	_ =	shalt  }
0x72: {  	_ =	shalt  }
0x73: {  	_ =	shalt  }
0x74: {  	_ =	shalt  }
0x75: {  	_ =	shalt  }
0x76: {  	_ =	shalt  }
0x77: {  	_ =	shalt  }
0x78: {  	_ =	shalt  }
0x79: {  	_ =	shalt  }
0x7a: {  	_ =	shalt  }
0x7b: {  	_ =	shalt  }
0x7c: {  	_ =	shalt  }
0x7d: {  	_ =	shalt  }
0x7e: {  	_ =	shalt  }
0x7f: {  	_ =	shalt  }
0x80: {  	_ =	shalt  }
0x81: {  	_ =	shalt  }
0x82: {  	_ =	shalt  }
0x83: {  	_ =	shalt  }
0x84: {  	_ =	shalt  }
0x85: {  	_ =	shalt  }
0x86: {  	_ =	shalt  }
0x87: {  	_ =	shalt  }
.Lfunc_end0:
.L_simem_size_0:
called_computation_lowered:
.L_overlay_start_0:
0x88: {  	s2 =	sld [smem:$0x3FD9]  }
0x89: {  	s3 =	sld [smem:$0x3FFE];
	_ =	sdelay $0x1  }
0x8a: {  	s1 =	srdreg.scid  }
0x8b: {  	s0 =	sand.u32 $0x1, s1  }
0x8c: {  	s16 =	sshll.u32 s0, $0xA;
	s2 =	sadd.s32 s3, s2  }
0x8d: {  	s2 =	sadd.s32 s2, s16  }
0x8e: {  	[smem:$0x3FBF] =	sst s2  }
0x8f: {  	_ = 	snop  }
0x90: {  	(tm) =	ssettm $0x1  }
0x91: {  	s17 =	sld [smem:$0x3FFB];
	_ =	sdelay $0x3  }
0x92: {  	_ =	strace s17  }
0x93: {  	s2 =	sld [smem:$0x3FFC];
	_ =	sdelay $0x3  }
0x94: {  	_ =	strace s2  }
0x95: {  	s2 =	sld [smem:$0x3FFD];
	_ =	sdelay $0x3  }
0x96: {  	_ =	strace s2  }
0x97: {  	_ =	strace $0x8FFFFFFF  }
0x98: {  	s18 =	sld [smem:$0x3FDB];
	_ =	sdelay $0x1  }
0x99: {  	s19 =	simm.s32 $_scs_section_size  }
0x9a: {  	s4 =	simm.s32 $_size__tile_overlayer_lowered;
	s5 =	simm.s32 $_tile_overlayer_lowered  }
0x9b: {  	s22 =	simm.s32 $0x1BFF;
	s21 =	sshll.u32 s5, $0x1;
	s2 =	sadd.s32 s19, s18  }
0x9c: {  	s6 =	simm.s32 $0x0;
	s20 =	sshll.u32 s4, $0x1;
	s4 =	sadd.s32 s21, s2  }
0x9d: {  	[timem:s6], [sflag:s22] =	dma.local [hbm:s4], s20  }
0x9e: {  	_ =	swait.ge [sflag:s22], s20  }
0x9f: {  	s3 =	ssub.s32 $0x0, s20;
	[sflag:s22] =	ssyncset.done $0x0  }
0xa0: {  	[sflag:s22] =	ssyncadd.s32 s3;
	_ =	sdelay $0x1  }
0xa1: {  	s23 =	simm.s32 $0x1B8B  }
0xa2: {  	_ =	swait.ge [sflag:s23], $0x1  }
0xa3: {  	[sflag:s23] =	ssyncset.done $0x0  }
0xa4: {  	s25 =	simm.s32 $0x1B8E;
	s24 =	sld [smem:$0x3FFE];
	[sflag:s23] =	ssyncadd.s32 $0xFFFFFFFF  }
0xa5: {  	s26 =	simm.s32 $execute0_lowered;
	[smem:$0x3FD2] =	sst s25  }
0xa6: {  	s4 =	sshll.u32 s26, $0x1;
	_ =	strace $0x80000046;
	[dreg:$0x1] =	wrdreg $0xFFFFFFFF  }
0xa7: {  	s28 =	simm.s32 $_size_execute0_lowered;
	s2 =	sadd.s32 s2, s4;
	[dreg:$0x0] =	wrdreg $0x0  }
0xa8: {  	s4 =	sshll.u32 s28, $0x1;
	[dreg:$0x2] =	wrdreg s2  }
0xa9: {  	[dreg:$0x3] =	wrdreg s4  }
0xaa: {  	[dreg:$0x4] =	wrdreg $0xC0  }
0xab: {  	_ =	task [dreg:s6], $0x5FFFF  }
0xac: {  	[dreg:$0x1] =	wrdreg $0xFFFFFFFF  }
0xad: {  	[dreg:$0x0] =	wrdreg $0x60  }
0xae: {  	[dreg:$0x2] =	wrdreg s24  }
0xaf: {  	[dreg:$0x3] =	wrdreg $0x9  }
0xb0: {  	_ =	task.clear_ibuf [dreg:s6], $0x4FFFF;
	_ =	strace $0x90000046  }
0xb1: {  	s29 =	simm.s32 $0x9;
	_ =	strace $0x80000048  }
0xb2: {  	_ =	swait.ge [sflag:s29], $0x1  }
0xb3: {  	[sflag:s29] =	ssyncadd.s32 $0xFFFFFFFF  }
0xb4: {  	_ =	strace $0x90000048  }
0xb5: {  	_ =	sfence  }
0xb6: {  	s30 =	sld [smem:$0x0];
	_ =	sdelay $0x2  }
0xb7: {  	s31 =	sshll.u32 s1, $0xD;
	s1 =	sshrl.u32 s1, $0x2  }
0xb8: {  	s3 =	sand.u32 $0x4000, s31;
	s1 =	sadd.s32 s1, s30  }
0xb9: {  	s0 =	sor.u32 s3, s0;
	s1 =	sshll.u32 s1, $0x11  }
0xba: {  	s0 =	sor.u32 s1, s0  }
0xbb: {  	s0 =	sadd.s32 $0x8F2B, s0  }
0xbc: {  	[sflag:s0] =	ssyncadd.remote.s32 $0x1  }
0xbd: {  	_ =	sfence.sel $0xFFFF  }
0xbe: {  	[dreg:$0x0] =	wrdreg $0xFFFFFFFF;
	(pc) =	sbr.abs _section_cstart, $3  }
0xbf: {  	[dreg:$0x1] =	wrdreg $0xFFFFFFFF  }
0xc0: {  	_ =	task.clear_ibuf [dreg:s6], $0x2FFFF;
	_ =	strace $0x9FFFFFFF  }
0xc1: {  	(tm) =	ssettm $0x7FFFFFFF  }
tec
execute0_lowered:
.L_overlay_start_1:
0x0: {  	(tag) =	ssettag $0x1  }
0x1: {  	s1 =	stileid.u32  }
0x2: {  	p0 =	sgt.u32 s1, $0x7  }
.Ltmp0:
0x3: {  	_ = 	snop;
	(pc) =	sbr.rel @p0 .LBB2_35-.Ltmp0, $4  }
0x4: {  	_ = 	snop  }
0x5: {  	s3 =	rddreg [dreg:$0x0];
	s2 =	simm.s32 $0x0  }
0x6: {  	[smem:$0x7FF] =	sst s2  }
0x7: {  	s0 =	rddreg [dreg:$0x1];
	_ =	strace $0x80000047  }
0x8: {  	s4 =	srdreg.scid  }
0x9: {  	s5 =	sshll.u32 s1, $0x1;
	s6 =	sshll.u32 s1, $0x6;
	s4 =	sand.u32 $0x1, s4  }
0xa: {  	s8 =	sadd.s32 $0x1800, s3;
	s9 =	simm.s32 $0x10000;
	s5 =	sor.u32 s4, s5  }
0xb: {  	s6 =	sand.u32 $0x100, s6;
	s4 =	ssub.s32 $0x2, s4;
	s7 =	sshll.u32 s5, $0x4  }
0xc: {  	s6 =	sadd.s32 s6, s3;
	s30 =	sshrl.u32 s4, $0x1;
	s7 =	sand.u32 $0x70, s7  }
0xd: {  	s31 =	sshll.u32 s5, $0xD;
	s29 =	sadd.s32 s7, s6;
	s6 =	ssub.s32 s4, s30  }
0xe: {  	s4 =	sadd.s32 s8, s31;
	s7 =	simm.s32 $0x80;
	s8 =	simm.s32 $0x400  }
0xf: {  	s3 =	sadd.s32 $0x21800, s29;
	s5 =	smax.u32 s6, $0x1;
	s6 =	simm.s32 $0x1  }
.LBB2_2:
0x10: {  	s10 =	simm.s32 $0x0  }
0x11: {  	[tilespmem:s10], [sflag:$0x1] =	stream.linear.gather [hbm4b:s4+s10], $0x10000, $0x38;
	[tilespmem:$0x10100] =	vst v63  }
0x12: {  	_ =	swait.ge [sflag:s6], $0x10000  }
0x13: {  	s11 =	sand.u32 $0xF800, s10;
	s12 =	sand.u32 $0x380, s10;
	[sflag:s6] =	ssyncset.done $0x0  }
0x14: {  	s12 =	sor.u32 s12, s11;
	[sflag:s6] =	ssyncadd.s32 $0xFFFF0000  }
0x15: {  	v0 =	vimm.f32 $0.0e+00;
	s11 =	simm.s32 $0x100;
	v1 =	vld [tilespmem:s12+$0x0]  }
.LBB2_3:
0x16: {  	p0 =	sne.s32 s11, $0xFF00  }
.Ltmp1:
0x17: {  	_ = 	snop;
	(pc) =	sbr.rel @p0 .LBB2_3-.Ltmp1, $4  }
0x18: {  	s10 =	sadd.s32 $0x80, s10  }
0x19: {  	s12 =	sand.u32 $0xF800, s11;
	s13 =	sand.u32 $0x380, s10  }
0x1a: {  	s12 =	sor.u32 s13, s12  }
0x1b: {  	s11 =	sadd.s32 $0x100, s11;
	v0 =	vadd.f32 v1, v0;
	v1 =	vld [tilespmem:s12+$0x0]  }
0x1c: {  	_ =	sdelay $0x3  }
0x1d: {  	v0 =	vadd.f32 v1, v0;
	_ =	sdelay $0x1  }
0x1e: {  	s10 =	simm.s32 $0x0;
	v0 =	vmul.f32 $3.906250000e-03, v0  }
0x1f: {  	s11 =	sand.u32 $0xF800, s10;
	s12 =	sand.u32 $0x380, s10  }
0x20: {  	s12 =	sor.u32 s12, s11;
	[tilespmem:$0x10000] =	vst v0  }
0x21: {  	s11 =	simm.s32 $0x100;
	v0 =	vimm.f32 $0.0e+00;
	v1 =	vld [tilespmem:s12+$0x10]  }
.LBB2_5:
0x22: {  	p0 =	sne.s32 s11, $0xFF00  }
.Ltmp2:
0x23: {  	_ = 	snop;
	(pc) =	sbr.rel @p0 .LBB2_5-.Ltmp2, $4  }
0x24: {  	s10 =	sadd.s32 $0x80, s10  }
0x25: {  	s12 =	sand.u32 $0xF800, s11;
	s13 =	sand.u32 $0x380, s10  }
0x26: {  	s12 =	sor.u32 s13, s12  }
0x27: {  	s11 =	sadd.s32 $0x100, s11;
	v0 =	vadd.f32 v1, v0;
	v1 =	vld [tilespmem:s12+$0x10]  }
0x28: {  	_ =	sdelay $0x3  }
0x29: {  	v0 =	vadd.f32 v1, v0;
	_ =	sdelay $0x1  }
0x2a: {  	s10 =	simm.s32 $0x0;
	v0 =	vmul.f32 $3.906250000e-03, v0  }
0x2b: {  	s11 =	sand.u32 $0xF800, s10;
	s12 =	sand.u32 $0x380, s10  }
0x2c: {  	s12 =	sor.u32 s12, s11;
	[tilespmem:$0x10010] =	vst v0  }
0x2d: {  	s11 =	simm.s32 $0x100;
	v0 =	vimm.f32 $0.0e+00;
	v1 =	vld [tilespmem:s12+$0x20]  }
.LBB2_7:
0x2e: {  	p0 =	sne.s32 s11, $0xFF00  }
.Ltmp3:
0x2f: {  	_ = 	snop;
	(pc) =	sbr.rel @p0 .LBB2_7-.Ltmp3, $4  }
0x30: {  	s10 =	sadd.s32 $0x80, s10  }
0x31: {  	s12 =	sand.u32 $0xF800, s11;
	s13 =	sand.u32 $0x380, s10  }
0x32: {  	s12 =	sor.u32 s13, s12  }
0x33: {  	s11 =	sadd.s32 $0x100, s11;
	v0 =	vadd.f32 v1, v0;
	v1 =	vld [tilespmem:s12+$0x20]  }
0x34: {  	_ =	sdelay $0x3  }
0x35: {  	v0 =	vadd.f32 v1, v0;
	_ =	sdelay $0x1  }
0x36: {  	s10 =	simm.s32 $0x0;
	v0 =	vmul.f32 $3.906250000e-03, v0  }
0x37: {  	s11 =	sand.u32 $0xF800, s10;
	s12 =	sand.u32 $0x380, s10  }
0x38: {  	s12 =	sor.u32 s12, s11;
	[tilespmem:$0x10020] =	vst v0  }
0x39: {  	s11 =	simm.s32 $0x100;
	v0 =	vimm.f32 $0.0e+00;
	v1 =	vld [tilespmem:s12+$0x30]  }
.LBB2_9:
0x3a: {  	p0 =	sne.s32 s11, $0xFF00  }
.Ltmp4:
0x3b: {  	_ = 	snop;
	(pc) =	sbr.rel @p0 .LBB2_9-.Ltmp4, $4  }
0x3c: {  	s10 =	sadd.s32 $0x80, s10  }
0x3d: {  	s12 =	sand.u32 $0xF800, s11;
	s13 =	sand.u32 $0x380, s10  }
0x3e: {  	s12 =	sor.u32 s13, s12  }
0x3f: {  	s11 =	sadd.s32 $0x100, s11;
	v0 =	vadd.f32 v1, v0;
	v1 =	vld [tilespmem:s12+$0x30]  }
0x40: {  	_ =	sdelay $0x3  }
0x41: {  	v0 =	vadd.f32 v1, v0;
	_ =	sdelay $0x1  }
0x42: {  	s10 =	simm.s32 $0x0;
	v0 =	vmul.f32 $3.906250000e-03, v0  }
0x43: {  	s11 =	sand.u32 $0xF800, s10;
	s12 =	sand.u32 $0x380, s10  }
0x44: {  	s12 =	sor.u32 s12, s11;
	[tilespmem:$0x10030] =	vst v0  }
0x45: {  	s11 =	simm.s32 $0x100;
	v0 =	vimm.f32 $0.0e+00;
	v1 =	vld [tilespmem:s12+$0x40]  }
.LBB2_11:
0x46: {  	p0 =	sne.s32 s11, $0xFF00  }
.Ltmp5:
0x47: {  	_ = 	snop;
	(pc) =	sbr.rel @p0 .LBB2_11-.Ltmp5, $4  }
0x48: {  	s10 =	sadd.s32 $0x80, s10  }
0x49: {  	s12 =	sand.u32 $0xF800, s11;
	s13 =	sand.u32 $0x380, s10  }
0x4a: {  	s12 =	sor.u32 s13, s12  }
0x4b: {  	s11 =	sadd.s32 $0x100, s11;
	v0 =	vadd.f32 v1, v0;
	v1 =	vld [tilespmem:s12+$0x40]  }
0x4c: {  	_ =	sdelay $0x3  }
0x4d: {  	v0 =	vadd.f32 v1, v0;
	_ =	sdelay $0x1  }
0x4e: {  	s10 =	simm.s32 $0x0;
	v0 =	vmul.f32 $3.906250000e-03, v0  }
0x4f: {  	s11 =	sand.u32 $0xF800, s10;
	s12 =	sand.u32 $0x380, s10  }
0x50: {  	s12 =	sor.u32 s12, s11;
	[tilespmem:$0x10040] =	vst v0  }
0x51: {  	s11 =	simm.s32 $0x100;
	v0 =	vimm.f32 $0.0e+00;
	v1 =	vld [tilespmem:s12+$0x50]  }
.LBB2_13:
0x52: {  	p0 =	sne.s32 s11, $0xFF00  }
.Ltmp6:
0x53: {  	_ = 	snop;
	(pc) =	sbr.rel @p0 .LBB2_13-.Ltmp6, $4  }
0x54: {  	s10 =	sadd.s32 $0x80, s10  }
0x55: {  	s12 =	sand.u32 $0xF800, s11;
	s13 =	sand.u32 $0x380, s10  }
0x56: {  	s12 =	sor.u32 s13, s12  }
0x57: {  	s11 =	sadd.s32 $0x100, s11;
	v0 =	vadd.f32 v1, v0;
	v1 =	vld [tilespmem:s12+$0x50]  }
0x58: {  	_ =	sdelay $0x3  }
0x59: {  	v0 =	vadd.f32 v1, v0;
	_ =	sdelay $0x1  }
0x5a: {  	s10 =	simm.s32 $0x0;
	v0 =	vmul.f32 $3.906250000e-03, v0  }
0x5b: {  	s11 =	sand.u32 $0xF800, s10;
	s12 =	sand.u32 $0x380, s10  }
0x5c: {  	s12 =	sor.u32 s12, s11;
	[tilespmem:$0x10050] =	vst v0  }
0x5d: {  	s11 =	simm.s32 $0x100;
	v0 =	vimm.f32 $0.0e+00;
	v1 =	vld [tilespmem:s12+$0x60]  }
.LBB2_15:
0x5e: {  	p0 =	sne.s32 s11, $0xFF00  }
.Ltmp7:
0x5f: {  	_ = 	snop;
	(pc) =	sbr.rel @p0 .LBB2_15-.Ltmp7, $4  }
0x60: {  	s10 =	sadd.s32 $0x80, s10  }
0x61: {  	s12 =	sand.u32 $0xF800, s11;
	s13 =	sand.u32 $0x380, s10  }
0x62: {  	s12 =	sor.u32 s13, s12  }
0x63: {  	s11 =	sadd.s32 $0x100, s11;
	v0 =	vadd.f32 v1, v0;
	v1 =	vld [tilespmem:s12+$0x60]  }
0x64: {  	_ =	sdelay $0x3  }
0x65: {  	v0 =	vadd.f32 v1, v0;
	_ =	sdelay $0x1  }
0x66: {  	s10 =	simm.s32 $0x0;
	v0 =	vmul.f32 $3.906250000e-03, v0  }
0x67: {  	s11 =	sand.u32 $0xF800, s10;
	s12 =	sand.u32 $0x380, s10  }
0x68: {  	s12 =	sor.u32 s12, s11;
	[tilespmem:$0x10060] =	vst v0  }
0x69: {  	s11 =	simm.s32 $0x100;
	v0 =	vimm.f32 $0.0e+00;
	v1 =	vld [tilespmem:s12+$0x70]  }
.LBB2_17:
0x6a: {  	p0 =	sne.s32 s11, $0xFF00  }
.Ltmp8:
0x6b: {  	_ = 	snop;
	(pc) =	sbr.rel @p0 .LBB2_17-.Ltmp8, $4  }
0x6c: {  	s10 =	sadd.s32 $0x80, s10  }
0x6d: {  	s12 =	sand.u32 $0xF800, s11;
	s13 =	sand.u32 $0x380, s10  }
0x6e: {  	s12 =	sor.u32 s13, s12  }
0x6f: {  	s11 =	sadd.s32 $0x100, s11;
	v0 =	vadd.f32 v1, v0;
	v1 =	vld [tilespmem:s12+$0x70]  }
0x70: {  	_ =	sdelay $0x3  }
0x71: {  	v0 =	vadd.f32 v1, v0;
	_ =	sdelay $0x1  }
0x72: {  	s10 =	simm.s32 $0x0;
	v0 =	vmul.f32 $3.906250000e-03, v0  }
0x73: {  	s11 =	sand.u32 $0xF800, s10;
	s12 =	sand.u32 $0x380, s10  }
0x74: {  	s12 =	sor.u32 s12, s11;
	[tilespmem:$0x10070] =	vst v0  }
0x75: {  	s11 =	simm.s32 $0x100;
	v0 =	vimm.f32 $0.0e+00;
	v1 =	vld [tilespmem:s12+$0x400]  }
.LBB2_19:
0x76: {  	p0 =	sne.s32 s11, $0xFF00  }
.Ltmp9:
0x77: {  	_ = 	snop;
	(pc) =	sbr.rel @p0 .LBB2_19-.Ltmp9, $4  }
0x78: {  	s10 =	sadd.s32 $0x80, s10  }
0x79: {  	s12 =	sand.u32 $0xF800, s11;
	s13 =	sand.u32 $0x380, s10  }
0x7a: {  	s12 =	sor.u32 s13, s12  }
0x7b: {  	s11 =	sadd.s32 $0x100, s11;
	v0 =	vadd.f32 v1, v0;
	v1 =	vld [tilespmem:s12+$0x400]  }
0x7c: {  	_ =	sdelay $0x3  }
0x7d: {  	v0 =	vadd.f32 v1, v0;
	_ =	sdelay $0x1  }
0x7e: {  	s10 =	simm.s32 $0x0;
	v0 =	vmul.f32 $3.906250000e-03, v0  }
0x7f: {  	s11 =	sand.u32 $0xF800, s10;
	s12 =	sand.u32 $0x380, s10  }
0x80: {  	s12 =	sor.u32 s12, s11;
	[tilespmem:$0x10080] =	vst v0  }
0x81: {  	s11 =	simm.s32 $0x100;
	v0 =	vimm.f32 $0.0e+00;
	v1 =	vld [tilespmem:s12+$0x410]  }
.LBB2_21:
0x82: {  	p0 =	sne.s32 s11, $0xFF00  }
.Ltmp10:
0x83: {  	_ = 	snop;
	(pc) =	sbr.rel @p0 .LBB2_21-.Ltmp10, $4  }
0x84: {  	s10 =	sadd.s32 $0x80, s10  }
0x85: {  	s12 =	sand.u32 $0xF800, s11;
	s13 =	sand.u32 $0x380, s10  }
0x86: {  	s12 =	sor.u32 s13, s12  }
0x87: {  	s11 =	sadd.s32 $0x100, s11;
	v0 =	vadd.f32 v1, v0;
	v1 =	vld [tilespmem:s12+$0x410]  }
0x88: {  	_ =	sdelay $0x3  }
0x89: {  	v0 =	vadd.f32 v1, v0;
	_ =	sdelay $0x1  }
0x8a: {  	s10 =	simm.s32 $0x0;
	v0 =	vmul.f32 $3.906250000e-03, v0  }
0x8b: {  	s11 =	sand.u32 $0xF800, s10;
	s12 =	sand.u32 $0x380, s10  }
0x8c: {  	s12 =	sor.u32 s12, s11;
	[tilespmem:$0x10090] =	vst v0  }
0x8d: {  	s11 =	simm.s32 $0x100;
	v0 =	vimm.f32 $0.0e+00;
	v1 =	vld [tilespmem:s12+$0x420]  }
.LBB2_23:
0x8e: {  	p0 =	sne.s32 s11, $0xFF00  }
.Ltmp11:
0x8f: {  	_ = 	snop;
	(pc) =	sbr.rel @p0 .LBB2_23-.Ltmp11, $4  }
0x90: {  	s10 =	sadd.s32 $0x80, s10  }
0x91: {  	s12 =	sand.u32 $0xF800, s11;
	s13 =	sand.u32 $0x380, s10  }
0x92: {  	s12 =	sor.u32 s13, s12  }
0x93: {  	s11 =	sadd.s32 $0x100, s11;
	v0 =	vadd.f32 v1, v0;
	v1 =	vld [tilespmem:s12+$0x420]  }
0x94: {  	_ =	sdelay $0x3  }
0x95: {  	v0 =	vadd.f32 v1, v0;
	_ =	sdelay $0x1  }
0x96: {  	s10 =	simm.s32 $0x0;
	v0 =	vmul.f32 $3.906250000e-03, v0  }
0x97: {  	s11 =	sand.u32 $0xF800, s10;
	s12 =	sand.u32 $0x380, s10  }
0x98: {  	s12 =	sor.u32 s12, s11;
	[tilespmem:$0x100A0] =	vst v0  }
0x99: {  	s11 =	simm.s32 $0x100;
	v0 =	vimm.f32 $0.0e+00;
	v1 =	vld [tilespmem:s12+$0x430]  }
.LBB2_25:
0x9a: {  	p0 =	sne.s32 s11, $0xFF00  }
.Ltmp12:
0x9b: {  	_ = 	snop;
	(pc) =	sbr.rel @p0 .LBB2_25-.Ltmp12, $4  }
0x9c: {  	s10 =	sadd.s32 $0x80, s10  }
0x9d: {  	s12 =	sand.u32 $0xF800, s11;
	s13 =	sand.u32 $0x380, s10  }
0x9e: {  	s12 =	sor.u32 s13, s12  }
0x9f: {  	s11 =	sadd.s32 $0x100, s11;
	v0 =	vadd.f32 v1, v0;
	v1 =	vld [tilespmem:s12+$0x430]  }
0xa0: {  	_ =	sdelay $0x3  }
0xa1: {  	v0 =	vadd.f32 v1, v0;
	_ =	sdelay $0x1  }
0xa2: {  	s10 =	simm.s32 $0x0;
	v0 =	vmul.f32 $3.906250000e-03, v0  }
0xa3: {  	s11 =	sand.u32 $0xF800, s10;
	s12 =	sand.u32 $0x380, s10  }
0xa4: {  	s12 =	sor.u32 s12, s11;
	[tilespmem:$0x100B0] =	vst v0  }
0xa5: {  	s11 =	simm.s32 $0x100;
	v0 =	vimm.f32 $0.0e+00;
	v1 =	vld [tilespmem:s12+$0x440]  }
.LBB2_27:
0xa6: {  	p0 =	sne.s32 s11, $0xFF00  }
.Ltmp13:
0xa7: {  	_ = 	snop;
	(pc) =	sbr.rel @p0 .LBB2_27-.Ltmp13, $4  }
0xa8: {  	s10 =	sadd.s32 $0x80, s10  }
0xa9: {  	s12 =	sand.u32 $0xF800, s11;
	s13 =	sand.u32 $0x380, s10  }
0xaa: {  	s12 =	sor.u32 s13, s12  }
0xab: {  	s11 =	sadd.s32 $0x100, s11;
	v0 =	vadd.f32 v1, v0;
	v1 =	vld [tilespmem:s12+$0x440]  }
0xac: {  	_ =	sdelay $0x3  }
0xad: {  	v0 =	vadd.f32 v1, v0;
	_ =	sdelay $0x1  }
0xae: {  	s10 =	simm.s32 $0x0;
	v0 =	vmul.f32 $3.906250000e-03, v0  }
0xaf: {  	s11 =	sand.u32 $0xF800, s10;
	s12 =	sand.u32 $0x380, s10  }
0xb0: {  	s12 =	sor.u32 s12, s11;
	[tilespmem:$0x100C0] =	vst v0  }
0xb1: {  	s11 =	simm.s32 $0x100;
	v0 =	vimm.f32 $0.0e+00;
	v1 =	vld [tilespmem:s12+$0x450]  }
.LBB2_29:
0xb2: {  	p0 =	sne.s32 s11, $0xFF00  }
.Ltmp14:
0xb3: {  	_ = 	snop;
	(pc) =	sbr.rel @p0 .LBB2_29-.Ltmp14, $4  }
0xb4: {  	s10 =	sadd.s32 $0x80, s10  }
0xb5: {  	s12 =	sand.u32 $0xF800, s11;
	s13 =	sand.u32 $0x380, s10  }
0xb6: {  	s12 =	sor.u32 s13, s12  }
0xb7: {  	s11 =	sadd.s32 $0x100, s11;
	v0 =	vadd.f32 v1, v0;
	v1 =	vld [tilespmem:s12+$0x450]  }
0xb8: {  	_ =	sdelay $0x3  }
0xb9: {  	v0 =	vadd.f32 v1, v0;
	_ =	sdelay $0x1  }
0xba: {  	s10 =	simm.s32 $0x0;
	v0 =	vmul.f32 $3.906250000e-03, v0  }
0xbb: {  	s11 =	sand.u32 $0xF800, s10;
	s12 =	sand.u32 $0x380, s10  }
0xbc: {  	s12 =	sor.u32 s12, s11;
	[tilespmem:$0x100D0] =	vst v0  }
0xbd: {  	s11 =	simm.s32 $0x100;
	v0 =	vimm.f32 $0.0e+00;
	v1 =	vld [tilespmem:s12+$0x460]  }
.LBB2_31:
0xbe: {  	p0 =	sne.s32 s11, $0xFF00  }
.Ltmp15:
0xbf: {  	_ = 	snop;
	(pc) =	sbr.rel @p0 .LBB2_31-.Ltmp15, $4  }
0xc0: {  	s10 =	sadd.s32 $0x80, s10  }
0xc1: {  	s12 =	sand.u32 $0xF800, s11;
	s13 =	sand.u32 $0x380, s10  }
0xc2: {  	s12 =	sor.u32 s13, s12  }
0xc3: {  	s11 =	sadd.s32 $0x100, s11;
	v0 =	vadd.f32 v1, v0;
	v1 =	vld [tilespmem:s12+$0x460]  }
0xc4: {  	_ =	sdelay $0x3  }
0xc5: {  	v0 =	vadd.f32 v1, v0;
	_ =	sdelay $0x1  }
0xc6: {  	s10 =	simm.s32 $0x0;
	v0 =	vmul.f32 $3.906250000e-03, v0  }
0xc7: {  	s11 =	sand.u32 $0xF800, s10;
	s12 =	sand.u32 $0x380, s10  }
0xc8: {  	s12 =	sor.u32 s12, s11;
	[tilespmem:$0x100E0] =	vst v0  }
0xc9: {  	s11 =	simm.s32 $0x100;
	v0 =	vimm.f32 $0.0e+00;
	v1 =	vld [tilespmem:s12+$0x470]  }
.LBB2_33:
0xca: {  	p0 =	sne.s32 s11, $0xFF00  }
.Ltmp16:
0xcb: {  	_ = 	snop;
	(pc) =	sbr.rel @p0 .LBB2_33-.Ltmp16, $4  }
0xcc: {  	s10 =	sadd.s32 $0x80, s10  }
0xcd: {  	s12 =	sand.u32 $0xF800, s11;
	s13 =	sand.u32 $0x380, s10  }
0xce: {  	s12 =	sor.u32 s13, s12  }
0xcf: {  	s11 =	sadd.s32 $0x100, s11;
	v0 =	vadd.f32 v1, v0;
	v1 =	vld [tilespmem:s12+$0x470]  }
0xd0: {  	_ =	sdelay $0x3  }
0xd1: {  	v0 =	vadd.f32 v1, v0;
	_ =	sdelay $0x1  }
0xd2: {  	s2 =	sadd.s32 $0x1, s2;
	v0 =	vmul.f32 $3.906250000e-03, v0  }
0xd3: {  	p0 =	sne.s32 s2, s5  }
.Ltmp17:
0xd4: {  	[tilespmem:$0x100F0] =	vst v0;
	(pc) =	sbr.rel @p0 .LBB2_2-.Ltmp17, $4  }
0xd5: {  	[hbm4b:s3+s7] =	stream.strided.scatter [tilespmem:s9], [sflag:$0x1], $0x100, s8, s7, $0x38;
	[tilespmem:$0x10100] =	vst v63  }
0xd6: {  	_ =	swait.ge [sflag:s6], $0x100  }
0xd7: {  	[sflag:s6] =	ssyncset.done $0x0  }
0xd8: {  	[sflag:s6] =	ssyncadd.s32 $0xFFFFFF00  }
.LBB2_35:
0xd9: {  	_ =	sfence.sel $0x180000  }
0xda: {  	[bflag:$0x0] =	sbarrier.arrive $0xFFFF  }
0xdb: {  	p0 =	sne.s32 s1, $0x0;
	_ =	strace $0x90000047  }
0xdc: {  	s0 =	sadd.s32 @!p0 $0x100000, s0;
	[bflag:$0x2] =	sbarrier.arrive $0xFFFF  }
0xdd: {  	[sflag:s0] =	ssyncadd.tile.s32 @!p0 $0x1;
	_ =	shalt  }
.Lfunc_end2:
_tile_overlayer_lowered:
.L_overlay_start_2:
0xde: {  	(tag) =	ssettag $0x2  }
0xdf: {  	s0 =	rddreg [dreg:$0x0];
	s2 =	stileid.u32  }
0xe0: {  	s1 =	rddreg [dreg:$0x1];
	p0 =	sne.s32 s2, $0x0  }
0xe1: {  	s3 =	rddreg [dreg:$0x2];
	[bflag:$0x3] =	sbarrier.arrive $0xFFFF;
	s2 =	simm.s32 @!p0 $0x1C01  }
0xe2: {  	[timem:s3], [sflag:s2] =	dma.local @!p0 [hbm:s0], s1  }
0xe3: {  	s0 =	simm.s32 @!p0 $0x1  }
0xe4: {  	_ =	swait.ge @!p0 [sflag:s0], s1  }
0xe5: {  	s1 =	ssub.s32 @!p0 $0x0, s1;
	[sflag:s0] =	ssyncset.done @!p0 $0x0  }
0xe6: {  	[sflag:s0] =	ssyncadd.s32 @!p0 s1  }
0xe7: {  	[bflag:$0x3] =	sbarrier.arrive $0xFFFF  }
0xe8: {  	_ =	shalt  }

</sc_bundles>
